<compile_context>
chip_gen: v7x
topology: tpu7x:2x2x1
jax: 0.10.2.dev20260603
libtpu: 0.0.44.dev20260713+nightly
codegen_flags: <defaults>
</compile_context>

<pallas_src>
import functools

import jax
import jax.numpy as jnp
from jax import lax
from jax.experimental import pallas as pl
from jax.experimental.pallas import tpu as pltpu
from jax.experimental.pallas import tpu_sc as plsc

VOCAB = 100000
HIDDEN = 768
NUM_TABLES = 3
B = 4 * 2048
NC, NS = 2, 16
NW = NC * NS
B_PER_W = B // NW
CHUNK = 64
NCHUNK = B_PER_W // CHUNK
DEPTH = 2
GLEAD = 1


@jax.jit
def _gather3(idx_flat, W0, W1, W2):
    out = jax.ShapeDtypeStruct((B, HIDDEN), jnp.float32)
    mesh = plsc.VectorSubcoreMesh(core_axis_name="c", subcore_axis_name="s")

    @functools.partial(
        pl.kernel,
        out_type=(out,) * 6,
        mesh=mesh,
        scratch_types=[
            *[pltpu.VMEM((CHUNK,), jnp.int32) for _ in range(NCHUNK)],
            *[pltpu.VMEM((CHUNK, HIDDEN), jnp.float32) for _ in range(DEPTH)],
            *[pltpu.SemaphoreType.DMA for _ in range(2 * DEPTH)],
        ],
    )
    def k(idx_hbm, w0_hbm, w1_hbm, w2_hbm,
          o0_hbm, o1_hbm, o2_hbm, o3_hbm, o4_hbm, o5_hbm, *scratch):
        idxs = scratch[:NCHUNK]
        bufs = scratch[NCHUNK:NCHUNK + DEPTH]
        gsems = scratch[NCHUNK + DEPTH:NCHUNK + 2 * DEPTH]
        wsems = scratch[NCHUNK + 2 * DEPTH:]
        tables = (w0_hbm, w1_hbm, w2_hbm)
        outs = (o0_hbm, o1_hbm, o2_hbm, o3_hbm, o4_hbm, o5_hbm)

        wid = lax.axis_index("s") * NC + lax.axis_index("c")
        base = wid * B_PER_W

        for c in range(NCHUNK):
            pltpu.sync_copy(idx_hbm.at[pl.ds(base + c * CHUNK, CHUNK)], idxs[c])

        items = [(t, c) for t in range(NUM_TABLES) for c in range(NCHUNK)]
        n = len(items)
        gcopies, wcopies = {}, {}

        def gstart(m):
            t, c = items[m]
            gcopies[m] = pltpu.async_copy(
                tables[t].at[idxs[c]], bufs[m % DEPTH], gsems[m % DEPTH])

        def wstart(m):
            t, c = items[m]
            sl = pl.ds(base + c * CHUNK, CHUNK)
            wcopies[m] = (
                pltpu.async_copy(bufs[m % DEPTH], outs[t].at[sl],
                                 wsems[m % DEPTH]),
                pltpu.async_copy(bufs[m % DEPTH], outs[5 - t].at[sl],
                                 wsems[m % DEPTH]),
            )

        def wwait(m):
            wcopies[m][0].wait()
            wcopies[m][1].wait()

        for m in range(min(GLEAD, n)):
            gstart(m)
        for j in range(n):
            gcopies[j].wait()
            wstart(j)
            m = j + GLEAD
            if m < n:
                if m >= DEPTH:
                    wwait(m - DEPTH)
                gstart(m)
        for m in range(max(0, n - DEPTH), n):
            wwait(m)

    return k(idx_flat, W0, W1, W2)


def kernel(inputs, W0, W1, W2):
    idx = inputs.reshape(-1).astype(jnp.int32)
    outs = _gather3(idx, W0, W1, W2)
    shp = (*inputs.shape, HIDDEN)
    return tuple(o.reshape(shp) for o in outs)

# --- scband reference (transcript-rebuilt; emitter-appended) ---
"""Pipeline reference for scband-value-embedding-30855045054937 (READ-ONLY COPY).

The authoritative reference and input builder live on the scoring server;
editing this copy changes nothing except your own understanding.
"""

import jax, jax.numpy as jnp
import numpy as np

VOCAB = 100000
HIDDEN = 768
NUM_LAYERS = 3
BATCH = 4
SEQ = 2048


def setup_inputs(seed: int = 0) -> dict:
    key = jax.random.key(seed)
    k_idx, k0, k1, k2 = jax.random.split(key, 4)
    inputs = jax.random.randint(k_idx, (BATCH, SEQ), 0, VOCAB, dtype=jnp.int64 if jax.config.jax_enable_x64 else jnp.int32)
    W0 = jax.random.normal(k0, (VOCAB, HIDDEN), dtype=jnp.float32) * 0.02
    W1 = jax.random.normal(k1, (VOCAB, HIDDEN), dtype=jnp.float32) * 0.02
    W2 = jax.random.normal(k2, (VOCAB, HIDDEN), dtype=jnp.float32) * 0.02
    return {"inputs": inputs, "W0": W0, "W1": W1, "W2": W2}


def reference(inputs, W0, W1, W2):
    # ValueEmbedding.forward: ve = [emb(inputs) for emb in self.embed]; ve += reversed(ve)
    e0 = jnp.take(W0, inputs, axis=0)
    e1 = jnp.take(W1, inputs, axis=0)
    e2 = jnp.take(W2, inputs, axis=0)
    ve = [e0, e1, e2]
    ve = ve + list(reversed(ve))  # [e0, e1, e2, e2, e1, e0]
    return tuple(ve)

if __name__ == "__main__":
    import jax
    _d = setup_inputs()
    print(jax.jit(kernel)(*tuple(_d.values())))

</pallas_src>

<mosaic_0001>
#map = affine_map<(d0, d1) -> (0)>
#map1 = affine_map<(d0, d1) -> (0, 0)>
module attributes {stable_mosaic.version = 14 : i64} {
  func.func @k(%arg0: i32, %arg1: i32, %arg2: memref<8192xi32, #tpu.memory_space<hbm>>, %arg3: memref<100000x768xf32, #tpu.memory_space<hbm>>, %arg4: memref<100000x768xf32, #tpu.memory_space<hbm>>, %arg5: memref<100000x768xf32, #tpu.memory_space<hbm>>, %arg6: memref<8192x768xf32, #tpu.memory_space<hbm>>, %arg7: memref<8192x768xf32, #tpu.memory_space<hbm>>, %arg8: memref<8192x768xf32, #tpu.memory_space<hbm>>, %arg9: memref<8192x768xf32, #tpu.memory_space<hbm>>, %arg10: memref<8192x768xf32, #tpu.memory_space<hbm>>, %arg11: memref<8192x768xf32, #tpu.memory_space<hbm>>, %arg12: memref<64xi32, #tpu.memory_space<vmem>>, %arg13: memref<64xi32, #tpu.memory_space<vmem>>, %arg14: memref<64xi32, #tpu.memory_space<vmem>>, %arg15: memref<64xi32, #tpu.memory_space<vmem>>, %arg16: memref<64x768xf32, #tpu.memory_space<vmem>>, %arg17: memref<64x768xf32, #tpu.memory_space<vmem>>, %arg18: memref<!tpu.dma_semaphore, #tpu.memory_space<semaphore_mem>>, %arg19: memref<!tpu.dma_semaphore, #tpu.memory_space<semaphore_mem>>, %arg20: memref<!tpu.dma_semaphore, #tpu.memory_space<semaphore_mem>>, %arg21: memref<!tpu.dma_semaphore, #tpu.memory_space<semaphore_mem>>) attributes {dimension_semantics = [#tpu.dimension_semantics<core_parallel>, #tpu.dimension_semantics<subcore_parallel>], iteration_bounds = array<i64: 2, 16>, scalar_prefetch = 0 : i64, scratch_operands = 10 : i64, tpu.core_type = #tpu.core_type<sc_vector_subcore>, window_params = [{transform_indices = #map}, {transform_indices = #map1}, {transform_indices = #map1}, {transform_indices = #map1}, {transform_indices = #map1}, {transform_indices = #map1}, {transform_indices = #map1}, {transform_indices = #map1}, {transform_indices = #map1}, {transform_indices = #map1}]} {
    %mul3A = arith.constant 2 : i32
    %mul3A_0 = arith.muli %arg1, %mul3A : i32
    %add3A = arith.addi %mul3A_0, %arg0 : i32
    %mul3A_1 = arith.constant 256 : i32
    %mul3A_2 = arith.muli %add3A, %mul3A_1 : i32
    %add3A_3 = arith.constant 0 : i32
    %add3A_4 = arith.addi %mul3A_2, %add3A_3 : i32
    "tpu.region"() ({
      %run_scoped3A = tpu.sem_alloc : memref<!tpu.dma_semaphore, #tpu.memory_space<semaphore_mem>>
      %dma_start3A_297 = tpu.memref_slice %arg2[%add3A_4] : memref<8192xi32, #tpu.memory_space<hbm>> -> memref<64xi32, #tpu.memory_space<hbm>>
      %dma_start3A_298 = tpu.memref_slice %arg2[%add3A_4] : memref<8192xi32, #tpu.memory_space<hbm>> -> memref<64xi32, #tpu.memory_space<hbm>>
      tpu.enqueue_dma source(%dma_start3A_298 : memref<64xi32, #tpu.memory_space<hbm>>) target(%arg12 : memref<64xi32, #tpu.memory_space<vmem>>) target_semaphore(%run_scoped3A : memref<!tpu.dma_semaphore, #tpu.memory_space<semaphore_mem>>)
      %dma_wait3A_299 = tpu.memref_slice %arg2[%add3A_4] : memref<8192xi32, #tpu.memory_space<hbm>> -> memref<64xi32, #tpu.memory_space<hbm>>
      %dma_wait3A_300 = tpu.memref_slice %arg2[%add3A_4] : memref<8192xi32, #tpu.memory_space<hbm>> -> memref<64xi32, #tpu.memory_space<hbm>>
      tpu.wait_dma2 semaphore(%run_scoped3A : memref<!tpu.dma_semaphore, #tpu.memory_space<semaphore_mem>>) src(%dma_wait3A_300 : memref<64xi32, #tpu.memory_space<hbm>>) dst(%arg12 : memref<64xi32, #tpu.memory_space<vmem>>)
      tpu.yield
    }) : () -> ()
    %add3A_5 = arith.constant 64 : i32
    %add3A_6 = arith.addi %mul3A_2, %add3A_5 : i32
    "tpu.region"() ({
      %run_scoped3A = tpu.sem_alloc : memref<!tpu.dma_semaphore, #tpu.memory_space<semaphore_mem>>
      %dma_start3A_297 = tpu.memref_slice %arg2[%add3A_6] : memref<8192xi32, #tpu.memory_space<hbm>> -> memref<64xi32, #tpu.memory_space<hbm>>
      %dma_start3A_298 = tpu.memref_slice %arg2[%add3A_6] : memref<8192xi32, #tpu.memory_space<hbm>> -> memref<64xi32, #tpu.memory_space<hbm>>
      tpu.enqueue_dma source(%dma_start3A_298 : memref<64xi32, #tpu.memory_space<hbm>>) target(%arg13 : memref<64xi32, #tpu.memory_space<vmem>>) target_semaphore(%run_scoped3A : memref<!tpu.dma_semaphore, #tpu.memory_space<semaphore_mem>>)
      %dma_wait3A_299 = tpu.memref_slice %arg2[%add3A_6] : memref<8192xi32, #tpu.memory_space<hbm>> -> memref<64xi32, #tpu.memory_space<hbm>>
      %dma_wait3A_300 = tpu.memref_slice %arg2[%add3A_6] : memref<8192xi32, #tpu.memory_space<hbm>> -> memref<64xi32, #tpu.memory_space<hbm>>
      tpu.wait_dma2 semaphore(%run_scoped3A : memref<!tpu.dma_semaphore, #tpu.memory_space<semaphore_mem>>) src(%dma_wait3A_300 : memref<64xi32, #tpu.memory_space<hbm>>) dst(%arg13 : memref<64xi32, #tpu.memory_space<vmem>>)
      tpu.yield
    }) : () -> ()
    %add3A_7 = arith.constant 128 : i32
    %add3A_8 = arith.addi %mul3A_2, %add3A_7 : i32
    "tpu.region"() ({
      %run_scoped3A = tpu.sem_alloc : memref<!tpu.dma_semaphore, #tpu.memory_space<semaphore_mem>>
      %dma_start3A_297 = tpu.memref_slice %arg2[%add3A_8] : memref<8192xi32, #tpu.memory_space<hbm>> -> memref<64xi32, #tpu.memory_space<hbm>>
      %dma_start3A_298 = tpu.memref_slice %arg2[%add3A_8] : memref<8192xi32, #tpu.memory_space<hbm>> -> memref<64xi32, #tpu.memory_space<hbm>>
      tpu.enqueue_dma source(%dma_start3A_298 : memref<64xi32, #tpu.memory_space<hbm>>) target(%arg14 : memref<64xi32, #tpu.memory_space<vmem>>) target_semaphore(%run_scoped3A : memref<!tpu.dma_semaphore, #tpu.memory_space<semaphore_mem>>)
      %dma_wait3A_299 = tpu.memref_slice %arg2[%add3A_8] : memref<8192xi32, #tpu.memory_space<hbm>> -> memref<64xi32, #tpu.memory_space<hbm>>
      %dma_wait3A_300 = tpu.memref_slice %arg2[%add3A_8] : memref<8192xi32, #tpu.memory_space<hbm>> -> memref<64xi32, #tpu.memory_space<hbm>>
      tpu.wait_dma2 semaphore(%run_scoped3A : memref<!tpu.dma_semaphore, #tpu.memory_space<semaphore_mem>>) src(%dma_wait3A_300 : memref<64xi32, #tpu.memory_space<hbm>>) dst(%arg14 : memref<64xi32, #tpu.memory_space<vmem>>)
      tpu.yield
    }) : () -> ()
    %add3A_9 = arith.constant 192 : i32
    %add3A_10 = arith.addi %mul3A_2, %add3A_9 : i32
    "tpu.region"() ({
      %run_scoped3A = tpu.sem_alloc : memref<!tpu.dma_semaphore, #tpu.memory_space<semaphore_mem>>
      %dma_start3A_297 = tpu.memref_slice %arg2[%add3A_10] : memref<8192xi32, #tpu.memory_space<hbm>> -> memref<64xi32, #tpu.memory_space<hbm>>
      %dma_start3A_298 = tpu.memref_slice %arg2[%add3A_10] : memref<8192xi32, #tpu.memory_space<hbm>> -> memref<64xi32, #tpu.memory_space<hbm>>
      tpu.enqueue_dma source(%dma_start3A_298 : memref<64xi32, #tpu.memory_space<hbm>>) target(%arg15 : memref<64xi32, #tpu.memory_space<vmem>>) target_semaphore(%run_scoped3A : memref<!tpu.dma_semaphore, #tpu.memory_space<semaphore_mem>>)
      %dma_wait3A_299 = tpu.memref_slice %arg2[%add3A_10] : memref<8192xi32, #tpu.memory_space<hbm>> -> memref<64xi32, #tpu.memory_space<hbm>>
      %dma_wait3A_300 = tpu.memref_slice %arg2[%add3A_10] : memref<8192xi32, #tpu.memory_space<hbm>> -> memref<64xi32, #tpu.memory_space<hbm>>
      tpu.wait_dma2 semaphore(%run_scoped3A : memref<!tpu.dma_semaphore, #tpu.memory_space<semaphore_mem>>) src(%dma_wait3A_300 : memref<64xi32, #tpu.memory_space<hbm>>) dst(%arg15 : memref<64xi32, #tpu.memory_space<vmem>>)
      tpu.yield
    }) : () -> ()
    %dma_start3A = arith.constant 0 : i32
    %dma_start3A_11 = arith.constant 0 : i32
    %dma_start3A_12 = tpu.memref_slice %arg3[%dma_start3A, %dma_start3A_11] : memref<100000x768xf32, #tpu.memory_space<hbm>> -> memref<100000x768xf32, #tpu.memory_space<hbm>>
    tpu.enqueue_indirect_dma source(%dma_start3A_12 : memref<100000x768xf32, #tpu.memory_space<hbm>>) target(%arg16 : memref<64x768xf32, #tpu.memory_space<vmem>>) offsets(%arg12 : memref<64xi32, #tpu.memory_space<vmem>>) semaphore(%arg18 : memref<!tpu.dma_semaphore, #tpu.memory_space<semaphore_mem>>)
    %dma_wait3A = arith.constant 0 : i32
    %dma_wait3A_13 = arith.constant 0 : i32
    %dma_wait3A_14 = tpu.memref_slice %arg3[%dma_wait3A, %dma_wait3A_13] : memref<100000x768xf32, #tpu.memory_space<hbm>> -> memref<100000x768xf32, #tpu.memory_space<hbm>>
    tpu.wait_indirect_dma semaphore(%arg18 : memref<!tpu.dma_semaphore, #tpu.memory_space<semaphore_mem>>) src(%dma_wait3A_14 : memref<100000x768xf32, #tpu.memory_space<hbm>>) dst(%arg16 : memref<64x768xf32, #tpu.memory_space<vmem>>)
    %add3A_15 = arith.constant 0 : i32
    %add3A_16 = arith.addi %mul3A_2, %add3A_15 : i32
    %dma_start3A_17 = arith.constant 0 : i32
    %dma_start3A_18 = tpu.memref_slice %arg6[%add3A_16, %dma_start3A_17] : memref<8192x768xf32, #tpu.memory_space<hbm>> -> memref<64x768xf32, #tpu.memory_space<hbm>>
    %dma_start3A_19 = arith.constant 0 : i32
    %dma_start3A_20 = tpu.memref_slice %arg6[%add3A_16, %dma_start3A_19] : memref<8192x768xf32, #tpu.memory_space<hbm>> -> memref<64x768xf32, #tpu.memory_space<hbm>>
    tpu.enqueue_dma source(%arg16 : memref<64x768xf32, #tpu.memory_space<vmem>>) target(%dma_start3A_20 : memref<64x768xf32, #tpu.memory_space<hbm>>) target_semaphore(%arg20 : memref<!tpu.dma_semaphore, #tpu.memory_space<semaphore_mem>>)
    %dma_start3A_21 = arith.constant 0 : i32
    %dma_start3A_22 = tpu.memref_slice %arg11[%add3A_16, %dma_start3A_21] : memref<8192x768xf32, #tpu.memory_space<hbm>> -> memref<64x768xf32, #tpu.memory_space<hbm>>
    %dma_start3A_23 = arith.constant 0 : i32
    %dma_start3A_24 = tpu.memref_slice %arg11[%add3A_16, %dma_start3A_23] : memref<8192x768xf32, #tpu.memory_space<hbm>> -> memref<64x768xf32, #tpu.memory_space<hbm>>
    tpu.enqueue_dma source(%arg16 : memref<64x768xf32, #tpu.memory_space<vmem>>) target(%dma_start3A_24 : memref<64x768xf32, #tpu.memory_space<hbm>>) target_semaphore(%arg20 : memref<!tpu.dma_semaphore, #tpu.memory_space<semaphore_mem>>)
    %dma_start3A_25 = arith.constant 0 : i32
    %dma_start3A_26 = arith.constant 0 : i32
    %dma_start3A_27 = tpu.memref_slice %arg3[%dma_start3A_25, %dma_start3A_26] : memref<100000x768xf32, #tpu.memory_space<hbm>> -> memref<100000x768xf32, #tpu.memory_space<hbm>>
    tpu.enqueue_indirect_dma source(%dma_start3A_27 : memref<100000x768xf32, #tpu.memory_space<hbm>>) target(%arg17 : memref<64x768xf32, #tpu.memory_space<vmem>>) offsets(%arg13 : memref<64xi32, #tpu.memory_space<vmem>>) semaphore(%arg19 : memref<!tpu.dma_semaphore, #tpu.memory_space<semaphore_mem>>)
    %dma_wait3A_28 = arith.constant 0 : i32
    %dma_wait3A_29 = arith.constant 0 : i32
    %dma_wait3A_30 = tpu.memref_slice %arg3[%dma_wait3A_28, %dma_wait3A_29] : memref<100000x768xf32, #tpu.memory_space<hbm>> -> memref<100000x768xf32, #tpu.memory_space<hbm>>
    tpu.wait_indirect_dma semaphore(%arg19 : memref<!tpu.dma_semaphore, #tpu.memory_space<semaphore_mem>>) src(%dma_wait3A_30 : memref<100000x768xf32, #tpu.memory_space<hbm>>) dst(%arg17 : memref<64x768xf32, #tpu.memory_space<vmem>>)
    %add3A_31 = arith.constant 64 : i32
    %add3A_32 = arith.addi %mul3A_2, %add3A_31 : i32
    %dma_start3A_33 = arith.constant 0 : i32
    %dma_start3A_34 = tpu.memref_slice %arg6[%add3A_32, %dma_start3A_33] : memref<8192x768xf32, #tpu.memory_space<hbm>> -> memref<64x768xf32, #tpu.memory_space<hbm>>
    %dma_start3A_35 = arith.constant 0 : i32
    %dma_start3A_36 = tpu.memref_slice %arg6[%add3A_32, %dma_start3A_35] : memref<8192x768xf32, #tpu.memory_space<hbm>> -> memref<64x768xf32, #tpu.memory_space<hbm>>
    tpu.enqueue_dma source(%arg17 : memref<64x768xf32, #tpu.memory_space<vmem>>) target(%dma_start3A_36 : memref<64x768xf32, #tpu.memory_space<hbm>>) target_semaphore(%arg21 : memref<!tpu.dma_semaphore, #tpu.memory_space<semaphore_mem>>)
    %dma_start3A_37 = arith.constant 0 : i32
    %dma_start3A_38 = tpu.memref_slice %arg11[%add3A_32, %dma_start3A_37] : memref<8192x768xf32, #tpu.memory_space<hbm>> -> memref<64x768xf32, #tpu.memory_space<hbm>>
    %dma_start3A_39 = arith.constant 0 : i32
    %dma_start3A_40 = tpu.memref_slice %arg11[%add3A_32, %dma_start3A_39] : memref<8192x768xf32, #tpu.memory_space<hbm>> -> memref<64x768xf32, #tpu.memory_space<hbm>>
    tpu.enqueue_dma source(%arg17 : memref<64x768xf32, #tpu.memory_space<vmem>>) target(%dma_start3A_40 : memref<64x768xf32, #tpu.memory_space<hbm>>) target_semaphore(%arg21 : memref<!tpu.dma_semaphore, #tpu.memory_space<semaphore_mem>>)
    %dma_wait3A_41 = arith.constant 0 : i32
    %dma_wait3A_42 = tpu.memref_slice %arg6[%add3A_16, %dma_wait3A_41] : memref<8192x768xf32, #tpu.memory_space<hbm>> -> memref<64x768xf32, #tpu.memory_space<hbm>>
    %dma_wait3A_43 = arith.constant 0 : i32
    %dma_wait3A_44 = tpu.memref_slice %arg6[%add3A_16, %dma_wait3A_43] : memref<8192x768xf32, #tpu.memory_space<hbm>> -> memref<64x768xf32, #tpu.memory_space<hbm>>
    tpu.wait_dma2 semaphore(%arg20 : memref<!tpu.dma_semaphore, #tpu.memory_space<semaphore_mem>>) src(%arg16 : memref<64x768xf32, #tpu.memory_space<vmem>>) dst(%dma_wait3A_44 : memref<64x768xf32, #tpu.memory_space<hbm>>)
    %dma_wait3A_45 = arith.constant 0 : i32
    %dma_wait3A_46 = tpu.memref_slice %arg11[%add3A_16, %dma_wait3A_45] : memref<8192x768xf32, #tpu.memory_space<hbm>> -> memref<64x768xf32, #tpu.memory_space<hbm>>
    %dma_wait3A_47 = arith.constant 0 : i32
    %dma_wait3A_48 = tpu.memref_slice %arg11[%add3A_16, %dma_wait3A_47] : memref<8192x768xf32, #tpu.memory_space<hbm>> -> memref<64x768xf32, #tpu.memory_space<hbm>>
    tpu.wait_dma2 semaphore(%arg20 : memref<!tpu.dma_semaphore, #tpu.memory_space<semaphore_mem>>) src(%arg16 : memref<64x768xf32, #tpu.memory_space<vmem>>) dst(%dma_wait3A_48 : memref<64x768xf32, #tpu.memory_space<hbm>>)
    %dma_start3A_49 = arith.constant 0 : i32
    %dma_start3A_50 = arith.constant 0 : i32
    %dma_start3A_51 = tpu.memref_slice %arg3[%dma_start3A_49, %dma_start3A_50] : memref<100000x768xf32, #tpu.memory_space<hbm>> -> memref<100000x768xf32, #tpu.memory_space<hbm>>
    tpu.enqueue_indirect_dma source(%dma_start3A_51 : memref<100000x768xf32, #tpu.memory_space<hbm>>) target(%arg16 : memref<64x768xf32, #tpu.memory_space<vmem>>) offsets(%arg14 : memref<64xi32, #tpu.memory_space<vmem>>) semaphore(%arg18 : memref<!tpu.dma_semaphore, #tpu.memory_space<semaphore_mem>>)
    %dma_wait3A_52 = arith.constant 0 : i32
    %dma_wait3A_53 = arith.constant 0 : i32
    %dma_wait3A_54 = tpu.memref_slice %arg3[%dma_wait3A_52, %dma_wait3A_53] : memref<100000x768xf32, #tpu.memory_space<hbm>> -> memref<100000x768xf32, #tpu.memory_space<hbm>>
    tpu.wait_indirect_dma semaphore(%arg18 : memref<!tpu.dma_semaphore, #tpu.memory_space<semaphore_mem>>) src(%dma_wait3A_54 : memref<100000x768xf32, #tpu.memory_space<hbm>>) dst(%arg16 : memref<64x768xf32, #tpu.memory_space<vmem>>)
    %add3A_55 = arith.constant 128 : i32
    %add3A_56 = arith.addi %mul3A_2, %add3A_55 : i32
    %dma_start3A_57 = arith.constant 0 : i32
    %dma_start3A_58 = tpu.memref_slice %arg6[%add3A_56, %dma_start3A_57] : memref<8192x768xf32, #tpu.memory_space<hbm>> -> memref<64x768xf32, #tpu.memory_space<hbm>>
    %dma_start3A_59 = arith.constant 0 : i32
    %dma_start3A_60 = tpu.memref_slice %arg6[%add3A_56, %dma_start3A_59] : memref<8192x768xf32, #tpu.memory_space<hbm>> -> memref<64x768xf32, #tpu.memory_space<hbm>>
    tpu.enqueue_dma source(%arg16 : memref<64x768xf32, #tpu.memory_space<vmem>>) target(%dma_start3A_60 : memref<64x768xf32, #tpu.memory_space<hbm>>) target_semaphore(%arg20 : memref<!tpu.dma_semaphore, #tpu.memory_space<semaphore_mem>>)
    %dma_start3A_61 = arith.constant 0 : i32
    %dma_start3A_62 = tpu.memref_slice %arg11[%add3A_56, %dma_start3A_61] : memref<8192x768xf32, #tpu.memory_space<hbm>> -> memref<64x768xf32, #tpu.memory_space<hbm>>
    %dma_start3A_63 = arith.constant 0 : i32
    %dma_start3A_64 = tpu.memref_slice %arg11[%add3A_56, %dma_start3A_63] : memref<8192x768xf32, #tpu.memory_space<hbm>> -> memref<64x768xf32, #tpu.memory_space<hbm>>
    tpu.enqueue_dma source(%arg16 : memref<64x768xf32, #tpu.memory_space<vmem>>) target(%dma_start3A_64 : memref<64x768xf32, #tpu.memory_space<hbm>>) target_semaphore(%arg20 : memref<!tpu.dma_semaphore, #tpu.memory_space<semaphore_mem>>)
    %dma_wait3A_65 = arith.constant 0 : i32
    %dma_wait3A_66 = tpu.memref_slice %arg6[%add3A_32, %dma_wait3A_65] : memref<8192x768xf32, #tpu.memory_space<hbm>> -> memref<64x768xf32, #tpu.memory_space<hbm>>
    %dma_wait3A_67 = arith.constant 0 : i32
    %dma_wait3A_68 = tpu.memref_slice %arg6[%add3A_32, %dma_wait3A_67] : memref<8192x768xf32, #tpu.memory_space<hbm>> -> memref<64x768xf32, #tpu.memory_space<hbm>>
    tpu.wait_dma2 semaphore(%arg21 : memref<!tpu.dma_semaphore, #tpu.memory_space<semaphore_mem>>) src(%arg17 : memref<64x768xf32, #tpu.memory_space<vmem>>) dst(%dma_wait3A_68 : memref<64x768xf32, #tpu.memory_space<hbm>>)
    %dma_wait3A_69 = arith.constant 0 : i32
    %dma_wait3A_70 = tpu.memref_slice %arg11[%add3A_32, %dma_wait3A_69] : memref<8192x768xf32, #tpu.memory_space<hbm>> -> memref<64x768xf32, #tpu.memory_space<hbm>>
    %dma_wait3A_71 = arith.constant 0 : i32
    %dma_wait3A_72 = tpu.memref_slice %arg11[%add3A_32, %dma_wait3A_71] : memref<8192x768xf32, #tpu.memory_space<hbm>> -> memref<64x768xf32, #tpu.memory_space<hbm>>
    tpu.wait_dma2 semaphore(%arg21 : memref<!tpu.dma_semaphore, #tpu.memory_space<semaphore_mem>>) src(%arg17 : memref<64x768xf32, #tpu.memory_space<vmem>>) dst(%dma_wait3A_72 : memref<64x768xf32, #tpu.memory_space<hbm>>)
    %dma_start3A_73 = arith.constant 0 : i32
    %dma_start3A_74 = arith.constant 0 : i32
    %dma_start3A_75 = tpu.memref_slice %arg3[%dma_start3A_73, %dma_start3A_74] : memref<100000x768xf32, #tpu.memory_space<hbm>> -> memref<100000x768xf32, #tpu.memory_space<hbm>>
    tpu.enqueue_indirect_dma source(%dma_start3A_75 : memref<100000x768xf32, #tpu.memory_space<hbm>>) target(%arg17 : memref<64x768xf32, #tpu.memory_space<vmem>>) offsets(%arg15 : memref<64xi32, #tpu.memory_space<vmem>>) semaphore(%arg19 : memref<!tpu.dma_semaphore, #tpu.memory_space<semaphore_mem>>)
    %dma_wait3A_76 = arith.constant 0 : i32
    %dma_wait3A_77 = arith.constant 0 : i32
    %dma_wait3A_78 = tpu.memref_slice %arg3[%dma_wait3A_76, %dma_wait3A_77] : memref<100000x768xf32, #tpu.memory_space<hbm>> -> memref<100000x768xf32, #tpu.memory_space<hbm>>
    tpu.wait_indirect_dma semaphore(%arg19 : memref<!tpu.dma_semaphore, #tpu.memory_space<semaphore_mem>>) src(%dma_wait3A_78 : memref<100000x768xf32, #tpu.memory_space<hbm>>) dst(%arg17 : memref<64x768xf32, #tpu.memory_space<vmem>>)
    %add3A_79 = arith.constant 192 : i32
    %add3A_80 = arith.addi %mul3A_2, %add3A_79 : i32
    %dma_start3A_81 = arith.constant 0 : i32
    %dma_start3A_82 = tpu.memref_slice %arg6[%add3A_80, %dma_start3A_81] : memref<8192x768xf32, #tpu.memory_space<hbm>> -> memref<64x768xf32, #tpu.memory_space<hbm>>
    %dma_start3A_83 = arith.constant 0 : i32
    %dma_start3A_84 = tpu.memref_slice %arg6[%add3A_80, %dma_start3A_83] : memref<8192x768xf32, #tpu.memory_space<hbm>> -> memref<64x768xf32, #tpu.memory_space<hbm>>
    tpu.enqueue_dma source(%arg17 : memref<64x768xf32, #tpu.memory_space<vmem>>) target(%dma_start3A_84 : memref<64x768xf32, #tpu.memory_space<hbm>>) target_semaphore(%arg21 : memref<!tpu.dma_semaphore, #tpu.memory_space<semaphore_mem>>)
    %dma_start3A_85 = arith.constant 0 : i32
    %dma_start3A_86 = tpu.memref_slice %arg11[%add3A_80, %dma_start3A_85] : memref<8192x768xf32, #tpu.memory_space<hbm>> -> memref<64x768xf32, #tpu.memory_space<hbm>>
    %dma_start3A_87 = arith.constant 0 : i32
    %dma_start3A_88 = tpu.memref_slice %arg11[%add3A_80, %dma_start3A_87] : memref<8192x768xf32, #tpu.memory_space<hbm>> -> memref<64x768xf32, #tpu.memory_space<hbm>>
    tpu.enqueue_dma source(%arg17 : memref<64x768xf32, #tpu.memory_space<vmem>>) target(%dma_start3A_88 : memref<64x768xf32, #tpu.memory_space<hbm>>) target_semaphore(%arg21 : memref<!tpu.dma_semaphore, #tpu.memory_space<semaphore_mem>>)
    %dma_wait3A_89 = arith.constant 0 : i32
    %dma_wait3A_90 = tpu.memref_slice %arg6[%add3A_56, %dma_wait3A_89] : memref<8192x768xf32, #tpu.memory_space<hbm>> -> memref<64x768xf32, #tpu.memory_space<hbm>>
    %dma_wait3A_91 = arith.constant 0 : i32
    %dma_wait3A_92 = tpu.memref_slice %arg6[%add3A_56, %dma_wait3A_91] : memref<8192x768xf32, #tpu.memory_space<hbm>> -> memref<64x768xf32, #tpu.memory_space<hbm>>
    tpu.wait_dma2 semaphore(%arg20 : memref<!tpu.dma_semaphore, #tpu.memory_space<semaphore_mem>>) src(%arg16 : memref<64x768xf32, #tpu.memory_space<vmem>>) dst(%dma_wait3A_92 : memref<64x768xf32, #tpu.memory_space<hbm>>)
    %dma_wait3A_93 = arith.constant 0 : i32
    %dma_wait3A_94 = tpu.memref_slice %arg11[%add3A_56, %dma_wait3A_93] : memref<8192x768xf32, #tpu.memory_space<hbm>> -> memref<64x768xf32, #tpu.memory_space<hbm>>
    %dma_wait3A_95 = arith.constant 0 : i32
    %dma_wait3A_96 = tpu.memref_slice %arg11[%add3A_56, %dma_wait3A_95] : memref<8192x768xf32, #tpu.memory_space<hbm>> -> memref<64x768xf32, #tpu.memory_space<hbm>>
    tpu.wait_dma2 semaphore(%arg20 : memref<!tpu.dma_semaphore, #tpu.memory_space<semaphore_mem>>) src(%arg16 : memref<64x768xf32, #tpu.memory_space<vmem>>) dst(%dma_wait3A_96 : memref<64x768xf32, #tpu.memory_space<hbm>>)
    %dma_start3A_97 = arith.constant 0 : i32
    %dma_start3A_98 = arith.constant 0 : i32
    %dma_start3A_99 = tpu.memref_slice %arg4[%dma_start3A_97, %dma_start3A_98] : memref<100000x768xf32, #tpu.memory_space<hbm>> -> memref<100000x768xf32, #tpu.memory_space<hbm>>
    tpu.enqueue_indirect_dma source(%dma_start3A_99 : memref<100000x768xf32, #tpu.memory_space<hbm>>) target(%arg16 : memref<64x768xf32, #tpu.memory_space<vmem>>) offsets(%arg12 : memref<64xi32, #tpu.memory_space<vmem>>) semaphore(%arg18 : memref<!tpu.dma_semaphore, #tpu.memory_space<semaphore_mem>>)
    %dma_wait3A_100 = arith.constant 0 : i32
    %dma_wait3A_101 = arith.constant 0 : i32
    %dma_wait3A_102 = tpu.memref_slice %arg4[%dma_wait3A_100, %dma_wait3A_101] : memref<100000x768xf32, #tpu.memory_space<hbm>> -> memref<100000x768xf32, #tpu.memory_space<hbm>>
    tpu.wait_indirect_dma semaphore(%arg18 : memref<!tpu.dma_semaphore, #tpu.memory_space<semaphore_mem>>) src(%dma_wait3A_102 : memref<100000x768xf32, #tpu.memory_space<hbm>>) dst(%arg16 : memref<64x768xf32, #tpu.memory_space<vmem>>)
    %add3A_103 = arith.constant 0 : i32
    %add3A_104 = arith.addi %mul3A_2, %add3A_103 : i32
    %dma_start3A_105 = arith.constant 0 : i32
    %dma_start3A_106 = tpu.memref_slice %arg7[%add3A_104, %dma_start3A_105] : memref<8192x768xf32, #tpu.memory_space<hbm>> -> memref<64x768xf32, #tpu.memory_space<hbm>>
    %dma_start3A_107 = arith.constant 0 : i32
    %dma_start3A_108 = tpu.memref_slice %arg7[%add3A_104, %dma_start3A_107] : memref<8192x768xf32, #tpu.memory_space<hbm>> -> memref<64x768xf32, #tpu.memory_space<hbm>>
    tpu.enqueue_dma source(%arg16 : memref<64x768xf32, #tpu.memory_space<vmem>>) target(%dma_start3A_108 : memref<64x768xf32, #tpu.memory_space<hbm>>) target_semaphore(%arg20 : memref<!tpu.dma_semaphore, #tpu.memory_space<semaphore_mem>>)
    %dma_start3A_109 = arith.constant 0 : i32
    %dma_start3A_110 = tpu.memref_slice %arg10[%add3A_104, %dma_start3A_109] : memref<8192x768xf32, #tpu.memory_space<hbm>> -> memref<64x768xf32, #tpu.memory_space<hbm>>
    %dma_start3A_111 = arith.constant 0 : i32
    %dma_start3A_112 = tpu.memref_slice %arg10[%add3A_104, %dma_start3A_111] : memref<8192x768xf32, #tpu.memory_space<hbm>> -> memref<64x768xf32, #tpu.memory_space<hbm>>
    tpu.enqueue_dma source(%arg16 : memref<64x768xf32, #tpu.memory_space<vmem>>) target(%dma_start3A_112 : memref<64x768xf32, #tpu.memory_space<hbm>>) target_semaphore(%arg20 : memref<!tpu.dma_semaphore, #tpu.memory_space<semaphore_mem>>)
    %dma_wait3A_113 = arith.constant 0 : i32
    %dma_wait3A_114 = tpu.memref_slice %arg6[%add3A_80, %dma_wait3A_113] : memref<8192x768xf32, #tpu.memory_space<hbm>> -> memref<64x768xf32, #tpu.memory_space<hbm>>
    %dma_wait3A_115 = arith.constant 0 : i32
    %dma_wait3A_116 = tpu.memref_slice %arg6[%add3A_80, %dma_wait3A_115] : memref<8192x768xf32, #tpu.memory_space<hbm>> -> memref<64x768xf32, #tpu.memory_space<hbm>>
    tpu.wait_dma2 semaphore(%arg21 : memref<!tpu.dma_semaphore, #tpu.memory_space<semaphore_mem>>) src(%arg17 : memref<64x768xf32, #tpu.memory_space<vmem>>) dst(%dma_wait3A_116 : memref<64x768xf32, #tpu.memory_space<hbm>>)
    %dma_wait3A_117 = arith.constant 0 : i32
    %dma_wait3A_118 = tpu.memref_slice %arg11[%add3A_80, %dma_wait3A_117] : memref<8192x768xf32, #tpu.memory_space<hbm>> -> memref<64x768xf32, #tpu.memory_space<hbm>>
    %dma_wait3A_119 = arith.constant 0 : i32
    %dma_wait3A_120 = tpu.memref_slice %arg11[%add3A_80, %dma_wait3A_119] : memref<8192x768xf32, #tpu.memory_space<hbm>> -> memref<64x768xf32, #tpu.memory_space<hbm>>
    tpu.wait_dma2 semaphore(%arg21 : memref<!tpu.dma_semaphore, #tpu.memory_space<semaphore_mem>>) src(%arg17 : memref<64x768xf32, #tpu.memory_space<vmem>>) dst(%dma_wait3A_120 : memref<64x768xf32, #tpu.memory_space<hbm>>)
    %dma_start3A_121 = arith.constant 0 : i32
    %dma_start3A_122 = arith.constant 0 : i32
    %dma_start3A_123 = tpu.memref_slice %arg4[%dma_start3A_121, %dma_start3A_122] : memref<100000x768xf32, #tpu.memory_space<hbm>> -> memref<100000x768xf32, #tpu.memory_space<hbm>>
    tpu.enqueue_indirect_dma source(%dma_start3A_123 : memref<100000x768xf32, #tpu.memory_space<hbm>>) target(%arg17 : memref<64x768xf32, #tpu.memory_space<vmem>>) offsets(%arg13 : memref<64xi32, #tpu.memory_space<vmem>>) semaphore(%arg19 : memref<!tpu.dma_semaphore, #tpu.memory_space<semaphore_mem>>)
    %dma_wait3A_124 = arith.constant 0 : i32
    %dma_wait3A_125 = arith.constant 0 : i32
    %dma_wait3A_126 = tpu.memref_slice %arg4[%dma_wait3A_124, %dma_wait3A_125] : memref<100000x768xf32, #tpu.memory_space<hbm>> -> memref<100000x768xf32, #tpu.memory_space<hbm>>
    tpu.wait_indirect_dma semaphore(%arg19 : memref<!tpu.dma_semaphore, #tpu.memory_space<semaphore_mem>>) src(%dma_wait3A_126 : memref<100000x768xf32, #tpu.memory_space<hbm>>) dst(%arg17 : memref<64x768xf32, #tpu.memory_space<vmem>>)
    %add3A_127 = arith.constant 64 : i32
    %add3A_128 = arith.addi %mul3A_2, %add3A_127 : i32
    %dma_start3A_129 = arith.constant 0 : i32
    %dma_start3A_130 = tpu.memref_slice %arg7[%add3A_128, %dma_start3A_129] : memref<8192x768xf32, #tpu.memory_space<hbm>> -> memref<64x768xf32, #tpu.memory_space<hbm>>
    %dma_start3A_131 = arith.constant 0 : i32
    %dma_start3A_132 = tpu.memref_slice %arg7[%add3A_128, %dma_start3A_131] : memref<8192x768xf32, #tpu.memory_space<hbm>> -> memref<64x768xf32, #tpu.memory_space<hbm>>
    tpu.enqueue_dma source(%arg17 : memref<64x768xf32, #tpu.memory_space<vmem>>) target(%dma_start3A_132 : memref<64x768xf32, #tpu.memory_space<hbm>>) target_semaphore(%arg21 : memref<!tpu.dma_semaphore, #tpu.memory_space<semaphore_mem>>)
    %dma_start3A_133 = arith.constant 0 : i32
    %dma_start3A_134 = tpu.memref_slice %arg10[%add3A_128, %dma_start3A_133] : memref<8192x768xf32, #tpu.memory_space<hbm>> -> memref<64x768xf32, #tpu.memory_space<hbm>>
    %dma_start3A_135 = arith.constant 0 : i32
    %dma_start3A_136 = tpu.memref_slice %arg10[%add3A_128, %dma_start3A_135] : memref<8192x768xf32, #tpu.memory_space<hbm>> -> memref<64x768xf32, #tpu.memory_space<hbm>>
    tpu.enqueue_dma source(%arg17 : memref<64x768xf32, #tpu.memory_space<vmem>>) target(%dma_start3A_136 : memref<64x768xf32, #tpu.memory_space<hbm>>) target_semaphore(%arg21 : memref<!tpu.dma_semaphore, #tpu.memory_space<semaphore_mem>>)
    %dma_wait3A_137 = arith.constant 0 : i32
    %dma_wait3A_138 = tpu.memref_slice %arg7[%add3A_104, %dma_wait3A_137] : memref<8192x768xf32, #tpu.memory_space<hbm>> -> memref<64x768xf32, #tpu.memory_space<hbm>>
    %dma_wait3A_139 = arith.constant 0 : i32
    %dma_wait3A_140 = tpu.memref_slice %arg7[%add3A_104, %dma_wait3A_139] : memref<8192x768xf32, #tpu.memory_space<hbm>> -> memref<64x768xf32, #tpu.memory_space<hbm>>
    tpu.wait_dma2 semaphore(%arg20 : memref<!tpu.dma_semaphore, #tpu.memory_space<semaphore_mem>>) src(%arg16 : memref<64x768xf32, #tpu.memory_space<vmem>>) dst(%dma_wait3A_140 : memref<64x768xf32, #tpu.memory_space<hbm>>)
    %dma_wait3A_141 = arith.constant 0 : i32
    %dma_wait3A_142 = tpu.memref_slice %arg10[%add3A_104, %dma_wait3A_141] : memref<8192x768xf32, #tpu.memory_space<hbm>> -> memref<64x768xf32, #tpu.memory_space<hbm>>
    %dma_wait3A_143 = arith.constant 0 : i32
    %dma_wait3A_144 = tpu.memref_slice %arg10[%add3A_104, %dma_wait3A_143] : memref<8192x768xf32, #tpu.memory_space<hbm>> -> memref<64x768xf32, #tpu.memory_space<hbm>>
    tpu.wait_dma2 semaphore(%arg20 : memref<!tpu.dma_semaphore, #tpu.memory_space<semaphore_mem>>) src(%arg16 : memref<64x768xf32, #tpu.memory_space<vmem>>) dst(%dma_wait3A_144 : memref<64x768xf32, #tpu.memory_space<hbm>>)
    %dma_start3A_145 = arith.constant 0 : i32
    %dma_start3A_146 = arith.constant 0 : i32
    %dma_start3A_147 = tpu.memref_slice %arg4[%dma_start3A_145, %dma_start3A_146] : memref<100000x768xf32, #tpu.memory_space<hbm>> -> memref<100000x768xf32, #tpu.memory_space<hbm>>
    tpu.enqueue_indirect_dma source(%dma_start3A_147 : memref<100000x768xf32, #tpu.memory_space<hbm>>) target(%arg16 : memref<64x768xf32, #tpu.memory_space<vmem>>) offsets(%arg14 : memref<64xi32, #tpu.memory_space<vmem>>) semaphore(%arg18 : memref<!tpu.dma_semaphore, #tpu.memory_space<semaphore_mem>>)
    %dma_wait3A_148 = arith.constant 0 : i32
    %dma_wait3A_149 = arith.constant 0 : i32
    %dma_wait3A_150 = tpu.memref_slice %arg4[%dma_wait3A_148, %dma_wait3A_149] : memref<100000x768xf32, #tpu.memory_space<hbm>> -> memref<100000x768xf32, #tpu.memory_space<hbm>>
    tpu.wait_indirect_dma semaphore(%arg18 : memref<!tpu.dma_semaphore, #tpu.memory_space<semaphore_mem>>) src(%dma_wait3A_150 : memref<100000x768xf32, #tpu.memory_space<hbm>>) dst(%arg16 : memref<64x768xf32, #tpu.memory_space<vmem>>)
    %add3A_151 = arith.constant 128 : i32
    %add3A_152 = arith.addi %mul3A_2, %add3A_151 : i32
    %dma_start3A_153 = arith.constant 0 : i32
    %dma_start3A_154 = tpu.memref_slice %arg7[%add3A_152, %dma_start3A_153] : memref<8192x768xf32, #tpu.memory_space<hbm>> -> memref<64x768xf32, #tpu.memory_space<hbm>>
    %dma_start3A_155 = arith.constant 0 : i32
    %dma_start3A_156 = tpu.memref_slice %arg7[%add3A_152, %dma_start3A_155] : memref<8192x768xf32, #tpu.memory_space<hbm>> -> memref<64x768xf32, #tpu.memory_space<hbm>>
    tpu.enqueue_dma source(%arg16 : memref<64x768xf32, #tpu.memory_space<vmem>>) target(%dma_start3A_156 : memref<64x768xf32, #tpu.memory_space<hbm>>) target_semaphore(%arg20 : memref<!tpu.dma_semaphore, #tpu.memory_space<semaphore_mem>>)
    %dma_start3A_157 = arith.constant 0 : i32
    %dma_start3A_158 = tpu.memref_slice %arg10[%add3A_152, %dma_start3A_157] : memref<8192x768xf32, #tpu.memory_space<hbm>> -> memref<64x768xf32, #tpu.memory_space<hbm>>
    %dma_start3A_159 = arith.constant 0 : i32
    %dma_start3A_160 = tpu.memref_slice %arg10[%add3A_152, %dma_start3A_159] : memref<8192x768xf32, #tpu.memory_space<hbm>> -> memref<64x768xf32, #tpu.memory_space<hbm>>
    tpu.enqueue_dma source(%arg16 : memref<64x768xf32, #tpu.memory_space<vmem>>) target(%dma_start3A_160 : memref<64x768xf32, #tpu.memory_space<hbm>>) target_semaphore(%arg20 : memref<!tpu.dma_semaphore, #tpu.memory_space<semaphore_mem>>)
    %dma_wait3A_161 = arith.constant 0 : i32
    %dma_wait3A_162 = tpu.memref_slice %arg7[%add3A_128, %dma_wait3A_161] : memref<8192x768xf32, #tpu.memory_space<hbm>> -> memref<64x768xf32, #tpu.memory_space<hbm>>
    %dma_wait3A_163 = arith.constant 0 : i32
    %dma_wait3A_164 = tpu.memref_slice %arg7[%add3A_128, %dma_wait3A_163] : memref<8192x768xf32, #tpu.memory_space<hbm>> -> memref<64x768xf32, #tpu.memory_space<hbm>>
    tpu.wait_dma2 semaphore(%arg21 : memref<!tpu.dma_semaphore, #tpu.memory_space<semaphore_mem>>) src(%arg17 : memref<64x768xf32, #tpu.memory_space<vmem>>) dst(%dma_wait3A_164 : memref<64x768xf32, #tpu.memory_space<hbm>>)
    %dma_wait3A_165 = arith.constant 0 : i32
    %dma_wait3A_166 = tpu.memref_slice %arg10[%add3A_128, %dma_wait3A_165] : memref<8192x768xf32, #tpu.memory_space<hbm>> -> memref<64x768xf32, #tpu.memory_space<hbm>>
    %dma_wait3A_167 = arith.constant 0 : i32
    %dma_wait3A_168 = tpu.memref_slice %arg10[%add3A_128, %dma_wait3A_167] : memref<8192x768xf32, #tpu.memory_space<hbm>> -> memref<64x768xf32, #tpu.memory_space<hbm>>
    tpu.wait_dma2 semaphore(%arg21 : memref<!tpu.dma_semaphore, #tpu.memory_space<semaphore_mem>>) src(%arg17 : memref<64x768xf32, #tpu.memory_space<vmem>>) dst(%dma_wait3A_168 : memref<64x768xf32, #tpu.memory_space<hbm>>)
    %dma_start3A_169 = arith.constant 0 : i32
    %dma_start3A_170 = arith.constant 0 : i32
    %dma_start3A_171 = tpu.memref_slice %arg4[%dma_start3A_169, %dma_start3A_170] : memref<100000x768xf32, #tpu.memory_space<hbm>> -> memref<100000x768xf32, #tpu.memory_space<hbm>>
    tpu.enqueue_indirect_dma source(%dma_start3A_171 : memref<100000x768xf32, #tpu.memory_space<hbm>>) target(%arg17 : memref<64x768xf32, #tpu.memory_space<vmem>>) offsets(%arg15 : memref<64xi32, #tpu.memory_space<vmem>>) semaphore(%arg19 : memref<!tpu.dma_semaphore, #tpu.memory_space<semaphore_mem>>)
    %dma_wait3A_172 = arith.constant 0 : i32
    %dma_wait3A_173 = arith.constant 0 : i32
    %dma_wait3A_174 = tpu.memref_slice %arg4[%dma_wait3A_172, %dma_wait3A_173] : memref<100000x768xf32, #tpu.memory_space<hbm>> -> memref<100000x768xf32, #tpu.memory_space<hbm>>
    tpu.wait_indirect_dma semaphore(%arg19 : memref<!tpu.dma_semaphore, #tpu.memory_space<semaphore_mem>>) src(%dma_wait3A_174 : memref<100000x768xf32, #tpu.memory_space<hbm>>) dst(%arg17 : memref<64x768xf32, #tpu.memory_space<vmem>>)
    %add3A_175 = arith.constant 192 : i32
    %add3A_176 = arith.addi %mul3A_2, %add3A_175 : i32
    %dma_start3A_177 = arith.constant 0 : i32
    %dma_start3A_178 = tpu.memref_slice %arg7[%add3A_176, %dma_start3A_177] : memref<8192x768xf32, #tpu.memory_space<hbm>> -> memref<64x768xf32, #tpu.memory_space<hbm>>
    %dma_start3A_179 = arith.constant 0 : i32
    %dma_start3A_180 = tpu.memref_slice %arg7[%add3A_176, %dma_start3A_179] : memref<8192x768xf32, #tpu.memory_space<hbm>> -> memref<64x768xf32, #tpu.memory_space<hbm>>
    tpu.enqueue_dma source(%arg17 : memref<64x768xf32, #tpu.memory_space<vmem>>) target(%dma_start3A_180 : memref<64x768xf32, #tpu.memory_space<hbm>>) target_semaphore(%arg21 : memref<!tpu.dma_semaphore, #tpu.memory_space<semaphore_mem>>)
    %dma_start3A_181 = arith.constant 0 : i32
    %dma_start3A_182 = tpu.memref_slice %arg10[%add3A_176, %dma_start3A_181] : memref<8192x768xf32, #tpu.memory_space<hbm>> -> memref<64x768xf32, #tpu.memory_space<hbm>>
    %dma_start3A_183 = arith.constant 0 : i32
    %dma_start3A_184 = tpu.memref_slice %arg10[%add3A_176, %dma_start3A_183] : memref<8192x768xf32, #tpu.memory_space<hbm>> -> memref<64x768xf32, #tpu.memory_space<hbm>>
    tpu.enqueue_dma source(%arg17 : memref<64x768xf32, #tpu.memory_space<vmem>>) target(%dma_start3A_184 : memref<64x768xf32, #tpu.memory_space<hbm>>) target_semaphore(%arg21 : memref<!tpu.dma_semaphore, #tpu.memory_space<semaphore_mem>>)
    %dma_wait3A_185 = arith.constant 0 : i32
    %dma_wait3A_186 = tpu.memref_slice %arg7[%add3A_152, %dma_wait3A_185] : memref<8192x768xf32, #tpu.memory_space<hbm>> -> memref<64x768xf32, #tpu.memory_space<hbm>>
    %dma_wait3A_187 = arith.constant 0 : i32
    %dma_wait3A_188 = tpu.memref_slice %arg7[%add3A_152, %dma_wait3A_187] : memref<8192x768xf32, #tpu.memory_space<hbm>> -> memref<64x768xf32, #tpu.memory_space<hbm>>
    tpu.wait_dma2 semaphore(%arg20 : memref<!tpu.dma_semaphore, #tpu.memory_space<semaphore_mem>>) src(%arg16 : memref<64x768xf32, #tpu.memory_space<vmem>>) dst(%dma_wait3A_188 : memref<64x768xf32, #tpu.memory_space<hbm>>)
    %dma_wait3A_189 = arith.constant 0 : i32
    %dma_wait3A_190 = tpu.memref_slice %arg10[%add3A_152, %dma_wait3A_189] : memref<8192x768xf32, #tpu.memory_space<hbm>> -> memref<64x768xf32, #tpu.memory_space<hbm>>
    %dma_wait3A_191 = arith.constant 0 : i32
    %dma_wait3A_192 = tpu.memref_slice %arg10[%add3A_152, %dma_wait3A_191] : memref<8192x768xf32, #tpu.memory_space<hbm>> -> memref<64x768xf32, #tpu.memory_space<hbm>>
    tpu.wait_dma2 semaphore(%arg20 : memref<!tpu.dma_semaphore, #tpu.memory_space<semaphore_mem>>) src(%arg16 : memref<64x768xf32, #tpu.memory_space<vmem>>) dst(%dma_wait3A_192 : memref<64x768xf32, #tpu.memory_space<hbm>>)
    %dma_start3A_193 = arith.constant 0 : i32
    %dma_start3A_194 = arith.constant 0 : i32
    %dma_start3A_195 = tpu.memref_slice %arg5[%dma_start3A_193, %dma_start3A_194] : memref<100000x768xf32, #tpu.memory_space<hbm>> -> memref<100000x768xf32, #tpu.memory_space<hbm>>
    tpu.enqueue_indirect_dma source(%dma_start3A_195 : memref<100000x768xf32, #tpu.memory_space<hbm>>) target(%arg16 : memref<64x768xf32, #tpu.memory_space<vmem>>) offsets(%arg12 : memref<64xi32, #tpu.memory_space<vmem>>) semaphore(%arg18 : memref<!tpu.dma_semaphore, #tpu.memory_space<semaphore_mem>>)
    %dma_wait3A_196 = arith.constant 0 : i32
    %dma_wait3A_197 = arith.constant 0 : i32
    %dma_wait3A_198 = tpu.memref_slice %arg5[%dma_wait3A_196, %dma_wait3A_197] : memref<100000x768xf32, #tpu.memory_space<hbm>> -> memref<100000x768xf32, #tpu.memory_space<hbm>>
    tpu.wait_indirect_dma semaphore(%arg18 : memref<!tpu.dma_semaphore, #tpu.memory_space<semaphore_mem>>) src(%dma_wait3A_198 : memref<100000x768xf32, #tpu.memory_space<hbm>>) dst(%arg16 : memref<64x768xf32, #tpu.memory_space<vmem>>)
    %add3A_199 = arith.constant 0 : i32
    %add3A_200 = arith.addi %mul3A_2, %add3A_199 : i32
    %dma_start3A_201 = arith.constant 0 : i32
    %dma_start3A_202 = tpu.memref_slice %arg8[%add3A_200, %dma_start3A_201] : memref<8192x768xf32, #tpu.memory_space<hbm>> -> memref<64x768xf32, #tpu.memory_space<hbm>>
    %dma_start3A_203 = arith.constant 0 : i32
    %dma_start3A_204 = tpu.memref_slice %arg8[%add3A_200, %dma_start3A_203] : memref<8192x768xf32, #tpu.memory_space<hbm>> -> memref<64x768xf32, #tpu.memory_space<hbm>>
    tpu.enqueue_dma source(%arg16 : memref<64x768xf32, #tpu.memory_space<vmem>>) target(%dma_start3A_204 : memref<64x768xf32, #tpu.memory_space<hbm>>) target_semaphore(%arg20 : memref<!tpu.dma_semaphore, #tpu.memory_space<semaphore_mem>>)
    %dma_start3A_205 = arith.constant 0 : i32
    %dma_start3A_206 = tpu.memref_slice %arg9[%add3A_200, %dma_start3A_205] : memref<8192x768xf32, #tpu.memory_space<hbm>> -> memref<64x768xf32, #tpu.memory_space<hbm>>
    %dma_start3A_207 = arith.constant 0 : i32
    %dma_start3A_208 = tpu.memref_slice %arg9[%add3A_200, %dma_start3A_207] : memref<8192x768xf32, #tpu.memory_space<hbm>> -> memref<64x768xf32, #tpu.memory_space<hbm>>
    tpu.enqueue_dma source(%arg16 : memref<64x768xf32, #tpu.memory_space<vmem>>) target(%dma_start3A_208 : memref<64x768xf32, #tpu.memory_space<hbm>>) target_semaphore(%arg20 : memref<!tpu.dma_semaphore, #tpu.memory_space<semaphore_mem>>)
    %dma_wait3A_209 = arith.constant 0 : i32
    %dma_wait3A_210 = tpu.memref_slice %arg7[%add3A_176, %dma_wait3A_209] : memref<8192x768xf32, #tpu.memory_space<hbm>> -> memref<64x768xf32, #tpu.memory_space<hbm>>
    %dma_wait3A_211 = arith.constant 0 : i32
    %dma_wait3A_212 = tpu.memref_slice %arg7[%add3A_176, %dma_wait3A_211] : memref<8192x768xf32, #tpu.memory_space<hbm>> -> memref<64x768xf32, #tpu.memory_space<hbm>>
    tpu.wait_dma2 semaphore(%arg21 : memref<!tpu.dma_semaphore, #tpu.memory_space<semaphore_mem>>) src(%arg17 : memref<64x768xf32, #tpu.memory_space<vmem>>) dst(%dma_wait3A_212 : memref<64x768xf32, #tpu.memory_space<hbm>>)
    %dma_wait3A_213 = arith.constant 0 : i32
    %dma_wait3A_214 = tpu.memref_slice %arg10[%add3A_176, %dma_wait3A_213] : memref<8192x768xf32, #tpu.memory_space<hbm>> -> memref<64x768xf32, #tpu.memory_space<hbm>>
    %dma_wait3A_215 = arith.constant 0 : i32
    %dma_wait3A_216 = tpu.memref_slice %arg10[%add3A_176, %dma_wait3A_215] : memref<8192x768xf32, #tpu.memory_space<hbm>> -> memref<64x768xf32, #tpu.memory_space<hbm>>
    tpu.wait_dma2 semaphore(%arg21 : memref<!tpu.dma_semaphore, #tpu.memory_space<semaphore_mem>>) src(%arg17 : memref<64x768xf32, #tpu.memory_space<vmem>>) dst(%dma_wait3A_216 : memref<64x768xf32, #tpu.memory_space<hbm>>)
    %dma_start3A_217 = arith.constant 0 : i32
    %dma_start3A_218 = arith.constant 0 : i32
    %dma_start3A_219 = tpu.memref_slice %arg5[%dma_start3A_217, %dma_start3A_218] : memref<100000x768xf32, #tpu.memory_space<hbm>> -> memref<100000x768xf32, #tpu.memory_space<hbm>>
    tpu.enqueue_indirect_dma source(%dma_start3A_219 : memref<100000x768xf32, #tpu.memory_space<hbm>>) target(%arg17 : memref<64x768xf32, #tpu.memory_space<vmem>>) offsets(%arg13 : memref<64xi32, #tpu.memory_space<vmem>>) semaphore(%arg19 : memref<!tpu.dma_semaphore, #tpu.memory_space<semaphore_mem>>)
    %dma_wait3A_220 = arith.constant 0 : i32
    %dma_wait3A_221 = arith.constant 0 : i32
    %dma_wait3A_222 = tpu.memref_slice %arg5[%dma_wait3A_220, %dma_wait3A_221] : memref<100000x768xf32, #tpu.memory_space<hbm>> -> memref<100000x768xf32, #tpu.memory_space<hbm>>
    tpu.wait_indirect_dma semaphore(%arg19 : memref<!tpu.dma_semaphore, #tpu.memory_space<semaphore_mem>>) src(%dma_wait3A_222 : memref<100000x768xf32, #tpu.memory_space<hbm>>) dst(%arg17 : memref<64x768xf32, #tpu.memory_space<vmem>>)
    %add3A_223 = arith.constant 64 : i32
    %add3A_224 = arith.addi %mul3A_2, %add3A_223 : i32
    %dma_start3A_225 = arith.constant 0 : i32
    %dma_start3A_226 = tpu.memref_slice %arg8[%add3A_224, %dma_start3A_225] : memref<8192x768xf32, #tpu.memory_space<hbm>> -> memref<64x768xf32, #tpu.memory_space<hbm>>
    %dma_start3A_227 = arith.constant 0 : i32
    %dma_start3A_228 = tpu.memref_slice %arg8[%add3A_224, %dma_start3A_227] : memref<8192x768xf32, #tpu.memory_space<hbm>> -> memref<64x768xf32, #tpu.memory_space<hbm>>
    tpu.enqueue_dma source(%arg17 : memref<64x768xf32, #tpu.memory_space<vmem>>) target(%dma_start3A_228 : memref<64x768xf32, #tpu.memory_space<hbm>>) target_semaphore(%arg21 : memref<!tpu.dma_semaphore, #tpu.memory_space<semaphore_mem>>)
    %dma_start3A_229 = arith.constant 0 : i32
    %dma_start3A_230 = tpu.memref_slice %arg9[%add3A_224, %dma_start3A_229] : memref<8192x768xf32, #tpu.memory_space<hbm>> -> memref<64x768xf32, #tpu.memory_space<hbm>>
    %dma_start3A_231 = arith.constant 0 : i32
    %dma_start3A_232 = tpu.memref_slice %arg9[%add3A_224, %dma_start3A_231] : memref<8192x768xf32, #tpu.memory_space<hbm>> -> memref<64x768xf32, #tpu.memory_space<hbm>>
    tpu.enqueue_dma source(%arg17 : memref<64x768xf32, #tpu.memory_space<vmem>>) target(%dma_start3A_232 : memref<64x768xf32, #tpu.memory_space<hbm>>) target_semaphore(%arg21 : memref<!tpu.dma_semaphore, #tpu.memory_space<semaphore_mem>>)
    %dma_wait3A_233 = arith.constant 0 : i32
    %dma_wait3A_234 = tpu.memref_slice %arg8[%add3A_200, %dma_wait3A_233] : memref<8192x768xf32, #tpu.memory_space<hbm>> -> memref<64x768xf32, #tpu.memory_space<hbm>>
    %dma_wait3A_235 = arith.constant 0 : i32
    %dma_wait3A_236 = tpu.memref_slice %arg8[%add3A_200, %dma_wait3A_235] : memref<8192x768xf32, #tpu.memory_space<hbm>> -> memref<64x768xf32, #tpu.memory_space<hbm>>
    tpu.wait_dma2 semaphore(%arg20 : memref<!tpu.dma_semaphore, #tpu.memory_space<semaphore_mem>>) src(%arg16 : memref<64x768xf32, #tpu.memory_space<vmem>>) dst(%dma_wait3A_236 : memref<64x768xf32, #tpu.memory_space<hbm>>)
    %dma_wait3A_237 = arith.constant 0 : i32
    %dma_wait3A_238 = tpu.memref_slice %arg9[%add3A_200, %dma_wait3A_237] : memref<8192x768xf32, #tpu.memory_space<hbm>> -> memref<64x768xf32, #tpu.memory_space<hbm>>
    %dma_wait3A_239 = arith.constant 0 : i32
    %dma_wait3A_240 = tpu.memref_slice %arg9[%add3A_200, %dma_wait3A_239] : memref<8192x768xf32, #tpu.memory_space<hbm>> -> memref<64x768xf32, #tpu.memory_space<hbm>>
    tpu.wait_dma2 semaphore(%arg20 : memref<!tpu.dma_semaphore, #tpu.memory_space<semaphore_mem>>) src(%arg16 : memref<64x768xf32, #tpu.memory_space<vmem>>) dst(%dma_wait3A_240 : memref<64x768xf32, #tpu.memory_space<hbm>>)
    %dma_start3A_241 = arith.constant 0 : i32
    %dma_start3A_242 = arith.constant 0 : i32
    %dma_start3A_243 = tpu.memref_slice %arg5[%dma_start3A_241, %dma_start3A_242] : memref<100000x768xf32, #tpu.memory_space<hbm>> -> memref<100000x768xf32, #tpu.memory_space<hbm>>
    tpu.enqueue_indirect_dma source(%dma_start3A_243 : memref<100000x768xf32, #tpu.memory_space<hbm>>) target(%arg16 : memref<64x768xf32, #tpu.memory_space<vmem>>) offsets(%arg14 : memref<64xi32, #tpu.memory_space<vmem>>) semaphore(%arg18 : memref<!tpu.dma_semaphore, #tpu.memory_space<semaphore_mem>>)
    %dma_wait3A_244 = arith.constant 0 : i32
    %dma_wait3A_245 = arith.constant 0 : i32
    %dma_wait3A_246 = tpu.memref_slice %arg5[%dma_wait3A_244, %dma_wait3A_245] : memref<100000x768xf32, #tpu.memory_space<hbm>> -> memref<100000x768xf32, #tpu.memory_space<hbm>>
    tpu.wait_indirect_dma semaphore(%arg18 : memref<!tpu.dma_semaphore, #tpu.memory_space<semaphore_mem>>) src(%dma_wait3A_246 : memref<100000x768xf32, #tpu.memory_space<hbm>>) dst(%arg16 : memref<64x768xf32, #tpu.memory_space<vmem>>)
    %add3A_247 = arith.constant 128 : i32
    %add3A_248 = arith.addi %mul3A_2, %add3A_247 : i32
    %dma_start3A_249 = arith.constant 0 : i32
    %dma_start3A_250 = tpu.memref_slice %arg8[%add3A_248, %dma_start3A_249] : memref<8192x768xf32, #tpu.memory_space<hbm>> -> memref<64x768xf32, #tpu.memory_space<hbm>>
    %dma_start3A_251 = arith.constant 0 : i32
    %dma_start3A_252 = tpu.memref_slice %arg8[%add3A_248, %dma_start3A_251] : memref<8192x768xf32, #tpu.memory_space<hbm>> -> memref<64x768xf32, #tpu.memory_space<hbm>>
    tpu.enqueue_dma source(%arg16 : memref<64x768xf32, #tpu.memory_space<vmem>>) target(%dma_start3A_252 : memref<64x768xf32, #tpu.memory_space<hbm>>) target_semaphore(%arg20 : memref<!tpu.dma_semaphore, #tpu.memory_space<semaphore_mem>>)
    %dma_start3A_253 = arith.constant 0 : i32
    %dma_start3A_254 = tpu.memref_slice %arg9[%add3A_248, %dma_start3A_253] : memref<8192x768xf32, #tpu.memory_space<hbm>> -> memref<64x768xf32, #tpu.memory_space<hbm>>
    %dma_start3A_255 = arith.constant 0 : i32
    %dma_start3A_256 = tpu.memref_slice %arg9[%add3A_248, %dma_start3A_255] : memref<8192x768xf32, #tpu.memory_space<hbm>> -> memref<64x768xf32, #tpu.memory_space<hbm>>
    tpu.enqueue_dma source(%arg16 : memref<64x768xf32, #tpu.memory_space<vmem>>) target(%dma_start3A_256 : memref<64x768xf32, #tpu.memory_space<hbm>>) target_semaphore(%arg20 : memref<!tpu.dma_semaphore, #tpu.memory_space<semaphore_mem>>)
    %dma_wait3A_257 = arith.constant 0 : i32
    %dma_wait3A_258 = tpu.memref_slice %arg8[%add3A_224, %dma_wait3A_257] : memref<8192x768xf32, #tpu.memory_space<hbm>> -> memref<64x768xf32, #tpu.memory_space<hbm>>
    %dma_wait3A_259 = arith.constant 0 : i32
    %dma_wait3A_260 = tpu.memref_slice %arg8[%add3A_224, %dma_wait3A_259] : memref<8192x768xf32, #tpu.memory_space<hbm>> -> memref<64x768xf32, #tpu.memory_space<hbm>>
    tpu.wait_dma2 semaphore(%arg21 : memref<!tpu.dma_semaphore, #tpu.memory_space<semaphore_mem>>) src(%arg17 : memref<64x768xf32, #tpu.memory_space<vmem>>) dst(%dma_wait3A_260 : memref<64x768xf32, #tpu.memory_space<hbm>>)
    %dma_wait3A_261 = arith.constant 0 : i32
    %dma_wait3A_262 = tpu.memref_slice %arg9[%add3A_224, %dma_wait3A_261] : memref<8192x768xf32, #tpu.memory_space<hbm>> -> memref<64x768xf32, #tpu.memory_space<hbm>>
    %dma_wait3A_263 = arith.constant 0 : i32
    %dma_wait3A_264 = tpu.memref_slice %arg9[%add3A_224, %dma_wait3A_263] : memref<8192x768xf32, #tpu.memory_space<hbm>> -> memref<64x768xf32, #tpu.memory_space<hbm>>
    tpu.wait_dma2 semaphore(%arg21 : memref<!tpu.dma_semaphore, #tpu.memory_space<semaphore_mem>>) src(%arg17 : memref<64x768xf32, #tpu.memory_space<vmem>>) dst(%dma_wait3A_264 : memref<64x768xf32, #tpu.memory_space<hbm>>)
    %dma_start3A_265 = arith.constant 0 : i32
    %dma_start3A_266 = arith.constant 0 : i32
    %dma_start3A_267 = tpu.memref_slice %arg5[%dma_start3A_265, %dma_start3A_266] : memref<100000x768xf32, #tpu.memory_space<hbm>> -> memref<100000x768xf32, #tpu.memory_space<hbm>>
    tpu.enqueue_indirect_dma source(%dma_start3A_267 : memref<100000x768xf32, #tpu.memory_space<hbm>>) target(%arg17 : memref<64x768xf32, #tpu.memory_space<vmem>>) offsets(%arg15 : memref<64xi32, #tpu.memory_space<vmem>>) semaphore(%arg19 : memref<!tpu.dma_semaphore, #tpu.memory_space<semaphore_mem>>)
    %dma_wait3A_268 = arith.constant 0 : i32
    %dma_wait3A_269 = arith.constant 0 : i32
    %dma_wait3A_270 = tpu.memref_slice %arg5[%dma_wait3A_268, %dma_wait3A_269] : memref<100000x768xf32, #tpu.memory_space<hbm>> -> memref<100000x768xf32, #tpu.memory_space<hbm>>
    tpu.wait_indirect_dma semaphore(%arg19 : memref<!tpu.dma_semaphore, #tpu.memory_space<semaphore_mem>>) src(%dma_wait3A_270 : memref<100000x768xf32, #tpu.memory_space<hbm>>) dst(%arg17 : memref<64x768xf32, #tpu.memory_space<vmem>>)
    %add3A_271 = arith.constant 192 : i32
    %add3A_272 = arith.addi %mul3A_2, %add3A_271 : i32
    %dma_start3A_273 = arith.constant 0 : i32
    %dma_start3A_274 = tpu.memref_slice %arg8[%add3A_272, %dma_start3A_273] : memref<8192x768xf32, #tpu.memory_space<hbm>> -> memref<64x768xf32, #tpu.memory_space<hbm>>
    %dma_start3A_275 = arith.constant 0 : i32
    %dma_start3A_276 = tpu.memref_slice %arg8[%add3A_272, %dma_start3A_275] : memref<8192x768xf32, #tpu.memory_space<hbm>> -> memref<64x768xf32, #tpu.memory_space<hbm>>
    tpu.enqueue_dma source(%arg17 : memref<64x768xf32, #tpu.memory_space<vmem>>) target(%dma_start3A_276 : memref<64x768xf32, #tpu.memory_space<hbm>>) target_semaphore(%arg21 : memref<!tpu.dma_semaphore, #tpu.memory_space<semaphore_mem>>)
    %dma_start3A_277 = arith.constant 0 : i32
    %dma_start3A_278 = tpu.memref_slice %arg9[%add3A_272, %dma_start3A_277] : memref<8192x768xf32, #tpu.memory_space<hbm>> -> memref<64x768xf32, #tpu.memory_space<hbm>>
    %dma_start3A_279 = arith.constant 0 : i32
    %dma_start3A_280 = tpu.memref_slice %arg9[%add3A_272, %dma_start3A_279] : memref<8192x768xf32, #tpu.memory_space<hbm>> -> memref<64x768xf32, #tpu.memory_space<hbm>>
    tpu.enqueue_dma source(%arg17 : memref<64x768xf32, #tpu.memory_space<vmem>>) target(%dma_start3A_280 : memref<64x768xf32, #tpu.memory_space<hbm>>) target_semaphore(%arg21 : memref<!tpu.dma_semaphore, #tpu.memory_space<semaphore_mem>>)
    %dma_wait3A_281 = arith.constant 0 : i32
    %dma_wait3A_282 = tpu.memref_slice %arg8[%add3A_248, %dma_wait3A_281] : memref<8192x768xf32, #tpu.memory_space<hbm>> -> memref<64x768xf32, #tpu.memory_space<hbm>>
    %dma_wait3A_283 = arith.constant 0 : i32
    %dma_wait3A_284 = tpu.memref_slice %arg8[%add3A_248, %dma_wait3A_283] : memref<8192x768xf32, #tpu.memory_space<hbm>> -> memref<64x768xf32, #tpu.memory_space<hbm>>
    tpu.wait_dma2 semaphore(%arg20 : memref<!tpu.dma_semaphore, #tpu.memory_space<semaphore_mem>>) src(%arg16 : memref<64x768xf32, #tpu.memory_space<vmem>>) dst(%dma_wait3A_284 : memref<64x768xf32, #tpu.memory_space<hbm>>)
    %dma_wait3A_285 = arith.constant 0 : i32
    %dma_wait3A_286 = tpu.memref_slice %arg9[%add3A_248, %dma_wait3A_285] : memref<8192x768xf32, #tpu.memory_space<hbm>> -> memref<64x768xf32, #tpu.memory_space<hbm>>
    %dma_wait3A_287 = arith.constant 0 : i32
    %dma_wait3A_288 = tpu.memref_slice %arg9[%add3A_248, %dma_wait3A_287] : memref<8192x768xf32, #tpu.memory_space<hbm>> -> memref<64x768xf32, #tpu.memory_space<hbm>>
    tpu.wait_dma2 semaphore(%arg20 : memref<!tpu.dma_semaphore, #tpu.memory_space<semaphore_mem>>) src(%arg16 : memref<64x768xf32, #tpu.memory_space<vmem>>) dst(%dma_wait3A_288 : memref<64x768xf32, #tpu.memory_space<hbm>>)
    %dma_wait3A_289 = arith.constant 0 : i32
    %dma_wait3A_290 = tpu.memref_slice %arg8[%add3A_272, %dma_wait3A_289] : memref<8192x768xf32, #tpu.memory_space<hbm>> -> memref<64x768xf32, #tpu.memory_space<hbm>>
    %dma_wait3A_291 = arith.constant 0 : i32
    %dma_wait3A_292 = tpu.memref_slice %arg8[%add3A_272, %dma_wait3A_291] : memref<8192x768xf32, #tpu.memory_space<hbm>> -> memref<64x768xf32, #tpu.memory_space<hbm>>
    tpu.wait_dma2 semaphore(%arg21 : memref<!tpu.dma_semaphore, #tpu.memory_space<semaphore_mem>>) src(%arg17 : memref<64x768xf32, #tpu.memory_space<vmem>>) dst(%dma_wait3A_292 : memref<64x768xf32, #tpu.memory_space<hbm>>)
    %dma_wait3A_293 = arith.constant 0 : i32
    %dma_wait3A_294 = tpu.memref_slice %arg9[%add3A_272, %dma_wait3A_293] : memref<8192x768xf32, #tpu.memory_space<hbm>> -> memref<64x768xf32, #tpu.memory_space<hbm>>
    %dma_wait3A_295 = arith.constant 0 : i32
    %dma_wait3A_296 = tpu.memref_slice %arg9[%add3A_272, %dma_wait3A_295] : memref<8192x768xf32, #tpu.memory_space<hbm>> -> memref<64x768xf32, #tpu.memory_space<hbm>>
    tpu.wait_dma2 semaphore(%arg21 : memref<!tpu.dma_semaphore, #tpu.memory_space<semaphore_mem>>) src(%arg17 : memref<64x768xf32, #tpu.memory_space<vmem>>) dst(%dma_wait3A_296 : memref<64x768xf32, #tpu.memory_space<hbm>>)
    return
  }
}

</mosaic_0001>

<sc_bundles>
// kernel: _gather3.3.cloned.1.call-start
scs
__scs_entry_jumppad:
0x0: {  	(pc) =	sbr.rel $0x88, $3  }
0x1: {  	(tag) =	ssettag $0x0;
	lr =	simm.s32 $0x1  }
0x2: {  	[smem:$0x3F9D] =	sst lr;
	_ =	strace $0xD0000000  }
0x3: {  	_ = 	snop  }
0x4: {  	_ = 	snop  }
0x5: {  	_ = 	snop  }
0x6: {  	_ = 	snop  }
0x7: {  	_ = 	snop  }
__scs_overlays_trampoline_lowered:
0x8: {  	[smem:$0x3FAC] =	sst s0  }
0x9: {  	[smem:$0x3FAD] =	sst s1  }
0xa: {  	[smem:$0x3FAE] =	sst s2  }
0xb: {  	[smem:$0x3FAF] =	sst s3  }
0xc: {  	[smem:$0x3FB0] =	sst s4  }
0xd: {  	[smem:$0x3FB1] =	sst s5  }
0xe: {  	[smem:$0x3FB2] =	sst s6  }
0xf: {  	[smem:$0x3FB3] =	sst s7  }
0x10: {  	[smem:$0x3FB4] =	sst s8  }
0x11: {  	[smem:$0x3FB5] =	sst s9;
	s0 =	simm.s32 @!p0 $0x0  }
0x12: {  	s1 =	sld [smem:$0x3F9B];
	s0 =	simm.s32 @p0 $0x1  }
0x13: {  	[smem:$0x3FB6] =	sst s0;
	s0 =	simm.s32 @!p1 $0x0  }
0x14: {  	s2 =	sld [smem:$0x3F9A];
	s0 =	simm.s32 @p1 $0x1  }
0x15: {  	[smem:$0x3FB7] =	sst s0;
	s0 =	simm.s32 @!p2 $0x0  }
0x16: {  	s3 =	sld [smem:$0x3FDB];
	s0 =	simm.s32 @p2 $0x1  }
0x17: {  	s4 =	simm.s32 $0x1BF5;
	[smem:$0x3FB9] =	sst s0  }
0x18: {  	s0 =	sld [smem:$0x3F9C];
	_ =	swait.ge [sflag:s4], $0x0  }
0x19: {  	s7 =	sld [smem:$0x3F9D]  }
0x1a: {  	s8 =	sadd.s32 $0xFFFFE003, lr  }
0x1b: {  	s9 =	sadd.s32 $0xFFFFFEF7, lr;
	s5 =	simm.s32 $0xFFFFFFFF;
	p2 =	slt.u32 s8, $0xFFFFF086  }
0x1c: {  	p1 =	slt.u32 s9, $0xF7A;
	s5 =	simm.s32 @!p2 $0x0  }
0x1d: {  	s5 =	simm.s32 @p1 $0x1;
	p0 =	seq.s32 s7, s2  }
0x1e: {  	s7 =	smul.u32 @!p0 $0xF7A, s2;
	p2 =	seq.s32 @!p0 s5, $0x0  }
0x1f: {  	s9 =	smul.u32 $0xF7A, s1;
	s8 =	simm.s32 @!p0 $0x1BF5;
	p2 =	por !p2, p0  }
0x20: {  	[sflag:s8] =	ssyncset.s32 @!p0 $0xFFFFF086;
	s6 =	sadd.s32 @!p0 s3, s7;
	s7 =	simm.s32 @!p0 $0x108  }
0x21: {  	s3 =	sadd.s32 s3, s9;
	s6 =	sadd.s32 @!p0 $0x88, s6;
	s7 =	simm.s32 @p2 $0x1082  }
0x22: {  	[simem:s7], [sflag:s8] =	dma.local @!p0 [hbm:s6], $0xF7A  }
0x23: {  	s9 =	sor.u32 $0xD0000000, s2;
	s6 =	simm.s32 $0x108;
	_ =	swait.ge @!p0 [sflag:s8], $0x0  }
0x24: {  	s3 =	sadd.s32 $0x88, s3;
	s6 =	simm.s32 @!p1 $0x1082;
	[sflag:s4] =	ssyncset.s32 $0xFFFFF086  }
0x25: {  	[simem:s6], [sflag:s4] =	dma.local [hbm:s3], $0xF7A  }
0x26: {  	[smem:$0x3F9D] =	sst s1;
	(tag) =	ssettag s2;
	_ =	strace s9  }
0x27: {  	s1 =	sld [smem:$0x3FAD]  }
0x28: {  	s2 =	sld [smem:$0x3FAE]  }
0x29: {  	s4 =	sld [smem:$0x3FB0]  }
0x2a: {  	p0 =	seq.s32 s5, $0x0;
	s5 =	sld [smem:$0x3FB1]  }
0x2b: {  	s6 =	sld [smem:$0x3FB2]  }
0x2c: {  	s7 =	sld [smem:$0x3FB3]  }
0x2d: {  	s3 =	simm.s32 $0x108;
	s8 =	sld [smem:$0x3FB4]  }
0x2e: {  	s3 =	simm.s32 @!p0 $0x1082;
	s9 =	sld [smem:$0x3FB5]  }
0x2f: {  	lr =	sadd.s32 s0, s3;
	s0 =	sld [smem:$0x3FAC]  }
0x30: {  	s3 =	sld [smem:$0x3FAF]  }
0x31: {  	[smem:$0x3FB8] =	sst s10  }
0x32: {  	s10 =	sld [smem:$0x3FB6];
	_ =	sdelay $0x3  }
0x33: {  	p0 =	seq.s32 s10, $0x1;
	s10 =	sld [smem:$0x3FB8];
	_ =	sdelay $0x3  }
0x34: {  	[smem:$0x3FB8] =	sst s10  }
0x35: {  	s10 =	sld [smem:$0x3FB7];
	_ =	sdelay $0x3  }
0x36: {  	p1 =	seq.s32 s10, $0x1;
	s10 =	sld [smem:$0x3FB8];
	_ =	sdelay $0x3  }
0x37: {  	[smem:$0x3FB8] =	sst s10  }
0x38: {  	s10 =	sld [smem:$0x3FB9]  }
0x39: {  	_ = 	snop;
	(pc) =	sbr.ind lr, $3  }
0x3a: {  	_ = 	snop  }
0x3b: {  	_ = 	snop  }
0x3c: {  	p2 =	seq.s32 s10, $0x1;
	s10 =	sld [smem:$0x3FB8]  }
0x3d: {  	_ =	shalt  }
0x3e: {  	_ =	shalt  }
0x3f: {  	_ =	shalt  }
0x40: {  	_ =	shalt  }
0x41: {  	_ =	shalt  }
0x42: {  	_ =	shalt  }
0x43: {  	_ =	shalt  }
0x44: {  	_ =	shalt  }
0x45: {  	_ =	shalt  }
0x46: {  	_ =	shalt  }
0x47: {  	_ =	shalt  }
0x48: {  	_ =	shalt  }
0x49: {  	_ =	shalt  }
0x4a: {  	_ =	shalt  }
0x4b: {  	_ =	shalt  }
0x4c: {  	_ =	shalt  }
0x4d: {  	_ =	shalt  }
0x4e: {  	_ =	shalt  }
0x4f: {  	_ =	shalt  }
0x50: {  	_ =	shalt  }
0x51: {  	_ =	shalt  }
0x52: {  	_ =	shalt  }
0x53: {  	_ =	shalt  }
0x54: {  	_ =	shalt  }
0x55: {  	_ =	shalt  }
0x56: {  	_ =	shalt  }
0x57: {  	_ =	shalt  }
0x58: {  	_ =	shalt  }
0x59: {  	_ =	shalt  }
0x5a: {  	_ =	shalt  }
0x5b: {  	_ =	shalt  }
0x5c: {  	_ =	shalt  }
0x5d: {  	_ =	shalt  }
0x5e: {  	_ =	shalt  }
0x5f: {  	_ =	shalt  }
0x60: {  	_ =	shalt  }
0x61: {  	_ =	shalt  }
0x62: {  	_ =	shalt  }
0x63: {  	_ =	shalt  }
0x64: {  	_ =	shalt  }
0x65: {  	_ =	shalt  }
0x66: {  	_ =	shalt  }
0x67: {  	_ =	shalt  }
0x68: {  	_ =	shalt  }
0x69: {  	_ =	shalt  }
0x6a: {  	_ =	shalt  }
0x6b: {  	_ =	shalt  }
0x6c: {  	_ =	shalt  }
0x6d: {  	_ =	shalt  }
0x6e: {  	_ =	shalt  }
0x6f: {  	_ =	shalt  }
0x70: {  	_ =	shalt  }
0x71: {  	_ =	shalt  }
0x72: {  	_ =	shalt  }
0x73: {  	_ =	shalt  }
0x74: {  	_ =	shalt  }
0x75: {  	_ =	shalt  }
0x76: {  	_ =	shalt  }
0x77: {  	_ =	shalt  }
0x78: {  	_ =	shalt  }
0x79: {  	_ =	shalt  }
0x7a: {  	_ =	shalt  }
0x7b: {  	_ =	shalt  }
0x7c: {  	_ =	shalt  }
0x7d: {  	_ =	shalt  }
0x7e: {  	_ =	shalt  }
0x7f: {  	_ =	shalt  }
0x80: {  	_ =	shalt  }
0x81: {  	_ =	shalt  }
0x82: {  	_ =	shalt  }
0x83: {  	_ =	shalt  }
0x84: {  	_ =	shalt  }
0x85: {  	_ =	shalt  }
0x86: {  	_ =	shalt  }
0x87: {  	_ =	shalt  }
.Lfunc_end0:
.L_simem_size_0:
called_computation_lowered:
.L_overlay_start_0:
0x88: {  	s2 =	sld [smem:$0x3FD9]  }
0x89: {  	s3 =	sld [smem:$0x3FFE];
	_ =	sdelay $0x1  }
0x8a: {  	s1 =	srdreg.scid  }
0x8b: {  	s0 =	sand.u32 $0x1, s1  }
0x8c: {  	s15 =	sshll.u32 s0, $0xA;
	s2 =	sadd.s32 s3, s2  }
0x8d: {  	s2 =	sadd.s32 s2, s15  }
0x8e: {  	[smem:$0x3FC4] =	sst s2  }
0x8f: {  	_ = 	snop  }
0x90: {  	s2 =	sld [smem:$0x3FC9]  }
0x91: {  	s16 =	sld [smem:$0x3FD0]  }
0x92: {  	s4 =	sld [smem:$0x3FC8]  }
0x93: {  	s5 =	sld [smem:$0x3FC7]  }
0x94: {  	s7 =	simm.s32 $0xA;
	s8 =	simm.s32 $0x10;
	s6 =	sld [smem:$0x3FC6]  }
0x95: {  	[smem:s8], [sflag:s7] =	dma.local [hbm:s16], $0x1  }
0x96: {  	_ =	swait.eq [sflag:s7], $0x1  }
0x97: {  	s17 =	sld [smem:$0x10]  }
0x98: {  	s18 =	sld [smem:$0x11]  }
0x99: {  	s9 =	sld [smem:$0x12]  }
0x9a: {  	s10 =	sld [smem:$0x13];
	[sflag:s7] =	ssyncset.done $0x0  }
0x9b: {  	s11 =	sld [smem:$0x14];
	[sflag:s7] =	ssyncadd.s32 $0xFFFFFFFF  }
0x9c: {  	s19 =	sld [smem:$0x15];
	(tm) =	ssettm $0x1  }
0x9d: {  	s12 =	sld [smem:$0x3FFB];
	_ =	sdelay $0x3  }
0x9e: {  	_ =	strace s12  }
0x9f: {  	s12 =	sld [smem:$0x3FFC];
	_ =	sdelay $0x3  }
0xa0: {  	_ =	strace s12  }
0xa1: {  	s12 =	sld [smem:$0x3FFD];
	_ =	sdelay $0x3  }
0xa2: {  	_ =	strace s12  }
0xa3: {  	_ =	strace $0x8FFFFFFF  }
0xa4: {  	s20 =	sld [smem:$0x3FDB];
	_ =	sdelay $0x1  }
0xa5: {  	s13 =	simm.s32 $_scs_section_size  }
0xa6: {  	s14 =	simm.s32 $_size__tile_overlayer_lowered;
	s15 =	simm.s32 $_tile_overlayer_lowered  }
0xa7: {  	s23 =	simm.s32 $0x1BFF;
	s22 =	sshll.u32 s15, $0x1;
	s12 =	sadd.s32 s13, s20  }
0xa8: {  	s21 =	sshll.u32 s14, $0x1;
	s16 =	simm.s32 $0x0;
	s14 =	sadd.s32 s22, s12  }
0xa9: {  	[timem:s16], [sflag:s23] =	dma.local [hbm:s14], s21  }
0xaa: {  	_ =	swait.ge [sflag:s23], s21  }
0xab: {  	s13 =	ssub.s32 $0x0, s21;
	[sflag:s23] =	ssyncset.done $0x0  }
0xac: {  	[sflag:s23] =	ssyncadd.s32 s13;
	_ =	sdelay $0x1  }
0xad: {  	s24 =	simm.s32 $0x1B8B  }
0xae: {  	_ =	swait.ge [sflag:s24], $0x1  }
0xaf: {  	[sflag:s24] =	ssyncset.done $0x0  }
0xb0: {  	s25 =	simm.s32 $0x1B8E;
	[sflag:s24] =	ssyncadd.s32 $0xFFFFFFFF  }
0xb1: {  	s26 =	simm.s32 $execute0_lowered;
	[smem:$0x3FD2] =	sst s25  }
0xb2: {  	s13 =	sshll.u32 s26, $0x1;
	_ =	strace $0x80000046;
	[dreg:$0x1] =	wrdreg $0xFFFFFFFF  }
0xb3: {  	s28 =	simm.s32 $_size_execute0_lowered;
	s12 =	sadd.s32 s12, s13;
	[dreg:$0x0] =	wrdreg $0x0  }
0xb4: {  	s13 =	sshll.u32 s28, $0x1;
	[dreg:$0x2] =	wrdreg s12  }
0xb5: {  	[dreg:$0x3] =	wrdreg s13  }
0xb6: {  	[dreg:$0x4] =	wrdreg $0xC0  }
0xb7: {  	_ =	task [dreg:s16], $0x5FFFF  }
0xb8: {  	[dreg:$0x1] =	wrdreg $0xFFFFFFFF  }
0xb9: {  	[dreg:$0x0] =	wrdreg $0x60  }
0xba: {  	[dreg:$0x2] =	wrdreg s2  }
0xbb: {  	[dreg:$0x3] =	wrdreg s4  }
0xbc: {  	[dreg:$0x4] =	wrdreg s5  }
0xbd: {  	[dreg:$0x5] =	wrdreg s6  }
0xbe: {  	[dreg:$0x6] =	wrdreg s17  }
0xbf: {  	[dreg:$0x7] =	wrdreg s18  }
0xc0: {  	[dreg:$0x8] =	wrdreg s9  }
0xc1: {  	[dreg:$0x9] =	wrdreg s10  }
0xc2: {  	[dreg:$0xa] =	wrdreg s11  }
0xc3: {  	[dreg:$0xb] =	wrdreg s19  }
0xc4: {  	[dreg:$0xc] =	wrdreg $0x9  }
0xc5: {  	_ =	task.clear_ibuf [dreg:s16], $0xDFFFF;
	_ =	strace $0x90000046  }
0xc6: {  	s29 =	simm.s32 $0x9;
	_ =	strace $0x80000048  }
0xc7: {  	_ =	swait.ge [sflag:s29], $0x1  }
0xc8: {  	[sflag:s29] =	ssyncadd.s32 $0xFFFFFFFF  }
0xc9: {  	_ =	strace $0x90000048  }
0xca: {  	_ =	sfence  }
0xcb: {  	s30 =	sld [smem:$0x0];
	_ =	sdelay $0x2  }
0xcc: {  	s31 =	sshll.u32 s1, $0xD;
	s1 =	sshrl.u32 s1, $0x2  }
0xcd: {  	s3 =	sand.u32 $0x4000, s31;
	s1 =	sadd.s32 s1, s30  }
0xce: {  	s0 =	sor.u32 s3, s0;
	s1 =	sshll.u32 s1, $0x11  }
0xcf: {  	s0 =	sor.u32 s1, s0  }
0xd0: {  	s0 =	sadd.s32 $0x8F2B, s0  }
0xd1: {  	[sflag:s0] =	ssyncadd.remote.s32 $0x1  }
0xd2: {  	_ =	sfence.sel $0xFFFF  }
0xd3: {  	[dreg:$0x0] =	wrdreg $0xFFFFFFFF;
	(pc) =	sbr.abs _section_cstart, $3  }
0xd4: {  	[dreg:$0x1] =	wrdreg $0xFFFFFFFF  }
0xd5: {  	_ =	task.clear_ibuf [dreg:s16], $0x2FFFF;
	_ =	strace $0x9FFFFFFF  }
0xd6: {  	(tm) =	ssettm $0x7FFFFFFF  }
0xd7: {  	_ =	shalt  }
tec
execute0_lowered:
.L_overlay_start_1:
0x0: {  	(tag) =	ssettag $0x1  }
0x1: {  	s6 =	rddreg [dreg:$0x0]  }
0x2: {  	s0 =	rddreg [dreg:$0x1]  }
0x3: {  	s1 =	rddreg [dreg:$0x2]  }
0x4: {  	s2 =	rddreg [dreg:$0x3]  }
0x5: {  	s7 =	rddreg [dreg:$0x4]  }
0x6: {  	s8 =	rddreg [dreg:$0x5]  }
0x7: {  	s4 =	rddreg [dreg:$0x6]  }
0x8: {  	s3 =	rddreg [dreg:$0x7]  }
0x9: {  	s9 =	rddreg [dreg:$0x8];
	s5 =	srdreg.scid  }
0xa: {  	s12 =	stileid.u32;
	s11 =	sand.u32 $0x1, s5;
	s5 =	simm.s32 $0x0  }
0xb: {  	s12 =	sshll.u32 s12, $0x6;
	s13 =	sshll.u32 s11, $0x5;
	[smem:$0x7FF] =	sst s5  }
0xc: {  	s10 =	rddreg [dreg:$0x9];
	s12 =	sor.u32 s13, s12;
	_ =	strace $0x80000047  }
0xd: {  	s13 =	sadd.s32 s6, s12;
	s14 =	sor.u32 $0x8, s12;
	s29 =	sor.u32 $0x10, s12  }
0xe: {  	s16 =	sor.u32 $0x18, s12;
	[dreg:$0xb] =	wrdreg s13;
	s28 =	sadd.s32 s6, s14  }
0xf: {  	s12 =	smul.u32 $0x300, s12;
	s15 =	sadd.s32 s6, s29;
	[dreg:$0xc] =	wrdreg s28  }
0x10: {  	s6 =	sadd.s32 s6, s16;
	[dreg:$0xd] =	wrdreg s15  }
0x11: {  	[dreg:$0xe] =	wrdreg s6;
	s15 =	sadd.s32 s7, s12  }
0x12: {  	s17 =	sadd.s32 s10, s12;
	[dreg:$0xf] =	wrdreg s15  }
0x13: {  	s14 =	smul.u32 $0x300, s14;
	s24 =	sadd.s32 s8, s12;
	[dreg:$0x10] =	wrdreg s17  }
0x14: {  	s25 =	sadd.s32 s9, s12;
	[dreg:$0x17] =	wrdreg s24  }
0x15: {  	s13 =	smul.u32 $0x300, s29;
	s18 =	sadd.s32 s7, s14;
	[dreg:$0x18] =	wrdreg s25  }
0x16: {  	s19 =	sadd.s32 s10, s14;
	[dreg:$0x11] =	wrdreg s18  }
0x17: {  	s20 =	sadd.s32 s7, s13;
	[dreg:$0x12] =	wrdreg s19  }
0x18: {  	s21 =	sadd.s32 s10, s13;
	[dreg:$0x13] =	wrdreg s20  }
0x19: {  	s26 =	sadd.s32 s8, s14;
	[dreg:$0x14] =	wrdreg s21  }
0x1a: {  	s28 =	sadd.s32 s9, s14;
	[dreg:$0x19] =	wrdreg s26  }
0x1b: {  	s29 =	sadd.s32 s8, s13;
	[dreg:$0x1a] =	wrdreg s28  }
0x1c: {  	s17 =	sadd.s32 s4, s12;
	[dreg:$0x1b] =	wrdreg s29  }
0x1d: {  	s24 =	sadd.s32 s4, s13;
	[dreg:$0x1f] =	wrdreg s17  }
0x1e: {  	s25 =	sadd.s32 s3, s13;
	[smem:$0x7F7] =	sst s24  }
0x1f: {  	s30 =	simm.s32 $0x2;
	s19 =	sadd.s32 s3, s12;
	[smem:$0x7F8] =	sst s25  }
0x20: {  	s31 =	simm.s32 $0x3;
	s21 =	sadd.s32 s4, s14;
	[smem:$0x7F4] =	sst s19  }
0x21: {  	s6 =	sadd.s32 $0x100, s0;
	s26 =	simm.s32 $0x80;
	[smem:$0x7F5] =	sst s21  }
0x22: {  	s15 =	smul.u32 $0x300, s16;
	s28 =	simm.s32 $0x100;
	[smem:$0x7FB] =	sst s26  }
0x23: {  	s18 =	ssub.s32 $0x2, s11;
	s29 =	simm.s32 $0x180;
	[smem:$0x7FC] =	sst s28  }
0x24: {  	s11 =	sadd.s32 $0x200, s2;
	s22 =	sadd.s32 s7, s15;
	[smem:$0x7FD] =	sst s29  }
0x25: {  	s23 =	sadd.s32 s10, s15;
	s7 =	sadd.s32 s9, s13;
	[dreg:$0x15] =	wrdreg s22  }
0x26: {  	s10 =	sadd.s32 s8, s15;
	s16 =	sadd.s32 s9, s15;
	[dreg:$0x16] =	wrdreg s23  }
0x27: {  	s20 =	sshrl.u32 s18, $0x1;
	s8 =	sadd.s32 $0x100, s1;
	[dreg:$0x1c] =	wrdreg s7  }
0x28: {  	s4 =	sadd.s32 s4, s15;
	s9 =	sadd.s32 $0x200, s1;
	[dreg:$0x1d] =	wrdreg s10  }
0x29: {  	s13 =	simm.s32 $0x5;
	s21 =	simm.s32 $0xC200;
	[dreg:$0x1e] =	wrdreg s16  }
0x2a: {  	s22 =	ssub.s32 s18, s20;
	s23 =	sadd.s32 s3, s14;
	s7 =	sadd.s32 $0x200, s0  }
0x2b: {  	v2 =	vlaneseq.u32;
	[smem:$0x7F9] =	sst s4;
	s3 =	sadd.s32 s3, s15;
	s10 =	sadd.s32 $0x100, s2  }
0x2c: {  	vm0 =	vmmov $0xffff;
	v1 =	vshrl.u32 v2, $0x3;
	s14 =	simm.s32 $0x200;
	s20 =	simm.s32 $0x1;
	[smem:$0x7F6] =	sst s23  }
0x2d: {  	v0 =	vand.u32 $0x7, v2;
	v2 =	vor.u32 $0x8, v2;
	v1 =	vmul.u32 $0x8, v1;
	[smem:$0x7FA] =	sst s3;
	s12 =	smax.u32 s22, $0x1;
	s3 =	simm.s32 $0x4  }
.LBB2_1:
0x2e: {  	s4 =	rddreg [dreg:$0xb]  }
0x2f: {  	[tilespmem:s5], [sflag:$0x5] =	stream.linear.gather [hbm4b:s4+s5], $0x40, $0x38;
	[tilespmem:$0x18200] =	vst v63  }
0x30: {  	_ =	swait.ge [sflag:s13], $0x40  }
0x31: {  	s15 =	sld [smem:$0x7FB]  }
0x32: {  	[sflag:s13] =	ssyncset.done $0x0  }
0x33: {  	s16 =	rddreg [dreg:$0xc];
	[sflag:s13] =	ssyncadd.s32 $0xFFFFFFC0  }
0x34: {  	[tilespmem:s15], [sflag:$0x5] =	stream.linear.gather [hbm4b:s16+s5], $0x40, $0x38;
	[tilespmem:$0x18200] =	vst v63  }
0x35: {  	_ =	swait.ge [sflag:s13], $0x40  }
0x36: {  	s18 =	sld [smem:$0x7FC]  }
0x37: {  	[sflag:s13] =	ssyncset.done $0x0  }
0x38: {  	s17 =	rddreg [dreg:$0xd];
	[sflag:s13] =	ssyncadd.s32 $0xFFFFFFC0  }
0x39: {  	[tilespmem:s18], [sflag:$0x5] =	stream.linear.gather [hbm4b:s17+s5], $0x40, $0x38;
	[tilespmem:$0x18200] =	vst v63  }
0x3a: {  	_ =	swait.ge [sflag:s13], $0x40  }
0x3b: {  	s22 =	sld [smem:$0x7FD]  }
0x3c: {  	[sflag:s13] =	ssyncset.done $0x0  }
0x3d: {  	s19 =	rddreg [dreg:$0xe];
	[sflag:s13] =	ssyncadd.s32 $0xFFFFFFC0  }
0x3e: {  	[tilespmem:s22], [sflag:$0x5] =	stream.linear.gather [hbm4b:s19+s5], $0x40, $0x38;
	[tilespmem:$0x18200] =	vst v63  }
0x3f: {  	_ =	swait.ge [sflag:s13], $0x40  }
0x40: {  	[sflag:s13] =	ssyncset.done $0x0  }
0x41: {  	[sflag:s13] =	ssyncadd.s32 $0xFFFFFFC0  }
0x42: {  	v3 =	vld [tilespmem:$0x0];
	_ =	sdelay $0x4  }
0x43: {  	v4 =	vshrl.u32 v3, $0x3  }
0x44: {  	v4 =	vmul.u32 $0x30, v4  }
0x45: {  	v3 =	vand.u32 $0x7, v3  }
0x46: {  	v3 =	vor.u32 v3, v4  }
0x47: {  	v4 =	vperm.xlane v3, v0;
	_ =	sdelay $0x1  }
0x48: {  	v4 =	vadd.s32 v1, v4;
	_ =	sdelay $0x3  }
0x49: {  	v3 =	vperm.xlane v3, v2  }
0x4a: {  	[tilespmem:s14], [sflag:$0x1] =	stream.indirect_vreg.gather [hbm4b:s0+s5], $0x80, v4, vm0, $0xb8;
	[tilespmem:$0x18200] =	vst v63  }
0x4b: {  	s23 =	simm.s32 $0xA00;
	v3 =	vadd.s32 v1, v3  }
0x4c: {  	[tilespmem:s23], [sflag:$0x1] =	stream.indirect_vreg.gather [hbm4b:s6+s5], $0x80, v4, vm0, $0xb8;
	[tilespmem:$0x18200] =	vst v63  }
0x4d: {  	s24 =	simm.s32 $0x1200  }
0x4e: {  	[tilespmem:s24], [sflag:$0x1] =	stream.indirect_vreg.gather [hbm4b:s7+s5], $0x80, v4, vm0, $0xb8;
	[tilespmem:$0x18200] =	vst v63  }
0x4f: {  	s25 =	simm.s32 $0x1A00  }
0x50: {  	[tilespmem:s25], [sflag:$0x1] =	stream.indirect_vreg.gather [hbm4b:s0+s5], $0x80, v3, vm0, $0xb8;
	[tilespmem:$0x18200] =	vst v63  }
0x51: {  	s26 =	simm.s32 $0x2200  }
0x52: {  	[tilespmem:s26], [sflag:$0x1] =	stream.indirect_vreg.gather [hbm4b:s6+s5], $0x80, v3, vm0, $0xb8;
	[tilespmem:$0x18200] =	vst v63  }
0x53: {  	s28 =	simm.s32 $0x2A00  }
0x54: {  	[tilespmem:s28], [sflag:$0x1] =	stream.indirect_vreg.gather [hbm4b:s7+s5], $0x80, v3, vm0, $0xb8;
	[tilespmem:$0x18200] =	vst v63  }
0x55: {  	v3 =	vld [tilespmem:$0x10];
	_ =	sdelay $0x4  }
0x56: {  	v17 =	vshrl.u32 v3, $0x3  }
0x57: {  	v4 =	vmul.u32 $0x30, v17  }
0x58: {  	v3 =	vand.u32 $0x7, v3  }
0x59: {  	v3 =	vor.u32 v3, v4  }
0x5a: {  	v4 =	vperm.xlane v3, v0;
	_ =	sdelay $0x1  }
0x5b: {  	v4 =	vadd.s32 v1, v4;
	_ =	sdelay $0x3  }
0x5c: {  	s29 =	simm.s32 $0x3200;
	v3 =	vperm.xlane v3, v2  }
0x5d: {  	[tilespmem:s29], [sflag:$0x1] =	stream.indirect_vreg.gather [hbm4b:s0+s5], $0x80, v4, vm0, $0xb8;
	[tilespmem:$0x18200] =	vst v63  }
0x5e: {  	s15 =	simm.s32 $0x3A00;
	v3 =	vadd.s32 v1, v3  }
0x5f: {  	[tilespmem:s15], [sflag:$0x1] =	stream.indirect_vreg.gather [hbm4b:s6+s5], $0x80, v4, vm0, $0xb8;
	[tilespmem:$0x18200] =	vst v63  }
0x60: {  	s18 =	simm.s32 $0x4200  }
0x61: {  	[tilespmem:s18], [sflag:$0x1] =	stream.indirect_vreg.gather [hbm4b:s7+s5], $0x80, v4, vm0, $0xb8;
	[tilespmem:$0x18200] =	vst v63  }
0x62: {  	s19 =	simm.s32 $0x4A00  }
0x63: {  	[tilespmem:s19], [sflag:$0x1] =	stream.indirect_vreg.gather [hbm4b:s0+s5], $0x80, v3, vm0, $0xb8;
	[tilespmem:$0x18200] =	vst v63  }
0x64: {  	s22 =	simm.s32 $0x5200  }
0x65: {  	[tilespmem:s22], [sflag:$0x1] =	stream.indirect_vreg.gather [hbm4b:s6+s5], $0x80, v3, vm0, $0xb8;
	[tilespmem:$0x18200] =	vst v63  }
0x66: {  	s23 =	simm.s32 $0x5A00  }
0x67: {  	[tilespmem:s23], [sflag:$0x1] =	stream.indirect_vreg.gather [hbm4b:s7+s5], $0x80, v3, vm0, $0xb8;
	[tilespmem:$0x18200] =	vst v63  }
0x68: {  	v3 =	vld [tilespmem:$0x20];
	_ =	sdelay $0x4  }
0x69: {  	v18 =	vshrl.u32 v3, $0x3  }
0x6a: {  	v4 =	vmul.u32 $0x30, v18  }
0x6b: {  	v3 =	vand.u32 $0x7, v3  }
0x6c: {  	v3 =	vor.u32 v3, v4  }
0x6d: {  	v4 =	vperm.xlane v3, v0;
	_ =	sdelay $0x1  }
0x6e: {  	v4 =	vadd.s32 v1, v4;
	_ =	sdelay $0x3  }
0x6f: {  	s24 =	simm.s32 $0x6200;
	v3 =	vperm.xlane v3, v2  }
0x70: {  	[tilespmem:s24], [sflag:$0x1] =	stream.indirect_vreg.gather [hbm4b:s0+s5], $0x80, v4, vm0, $0xb8;
	[tilespmem:$0x18200] =	vst v63  }
0x71: {  	s26 =	simm.s32 $0x6A00;
	v3 =	vadd.s32 v1, v3  }
0x72: {  	[tilespmem:s26], [sflag:$0x1] =	stream.indirect_vreg.gather [hbm4b:s6+s5], $0x80, v4, vm0, $0xb8;
	[tilespmem:$0x18200] =	vst v63  }
0x73: {  	s28 =	simm.s32 $0x7200  }
0x74: {  	[tilespmem:s28], [sflag:$0x1] =	stream.indirect_vreg.gather [hbm4b:s7+s5], $0x80, v4, vm0, $0xb8;
	[tilespmem:$0x18200] =	vst v63  }
0x75: {  	s29 =	simm.s32 $0x7A00  }
0x76: {  	[tilespmem:s29], [sflag:$0x1] =	stream.indirect_vreg.gather [hbm4b:s0+s5], $0x80, v3, vm0, $0xb8;
	[tilespmem:$0x18200] =	vst v63  }
0x77: {  	s15 =	simm.s32 $0x8200  }
0x78: {  	[tilespmem:s15], [sflag:$0x1] =	stream.indirect_vreg.gather [hbm4b:s6+s5], $0x80, v3, vm0, $0xb8;
	[tilespmem:$0x18200] =	vst v63  }
0x79: {  	s22 =	simm.s32 $0x8A00  }
0x7a: {  	[tilespmem:s22], [sflag:$0x1] =	stream.indirect_vreg.gather [hbm4b:s7+s5], $0x80, v3, vm0, $0xb8;
	[tilespmem:$0x18200] =	vst v63  }
0x7b: {  	v3 =	vld [tilespmem:$0x30];
	_ =	sdelay $0x4  }
0x7c: {  	v19 =	vshrl.u32 v3, $0x3  }
0x7d: {  	v4 =	vmul.u32 $0x30, v19  }
0x7e: {  	v3 =	vand.u32 $0x7, v3  }
0x7f: {  	v3 =	vor.u32 v3, v4  }
0x80: {  	v4 =	vperm.xlane v3, v0;
	_ =	sdelay $0x1  }
0x81: {  	v4 =	vadd.s32 v1, v4;
	_ =	sdelay $0x3  }
0x82: {  	s23 =	simm.s32 $0x9200;
	v3 =	vperm.xlane v3, v2  }
0x83: {  	[tilespmem:s23], [sflag:$0x1] =	stream.indirect_vreg.gather [hbm4b:s0+s5], $0x80, v4, vm0, $0xb8;
	[tilespmem:$0x18200] =	vst v63  }
0x84: {  	s24 =	simm.s32 $0x9A00;
	v3 =	vadd.s32 v1, v3  }
0x85: {  	[tilespmem:s24], [sflag:$0x1] =	stream.indirect_vreg.gather [hbm4b:s6+s5], $0x80, v4, vm0, $0xb8;
	[tilespmem:$0x18200] =	vst v63  }
0x86: {  	s15 =	simm.s32 $0xA200  }
0x87: {  	[tilespmem:s15], [sflag:$0x1] =	stream.indirect_vreg.gather [hbm4b:s7+s5], $0x80, v4, vm0, $0xb8;
	[tilespmem:$0x18200] =	vst v63  }
0x88: {  	s24 =	simm.s32 $0xAA00  }
0x89: {  	[tilespmem:s24], [sflag:$0x1] =	stream.indirect_vreg.gather [hbm4b:s0+s5], $0x80, v3, vm0, $0xb8;
	[tilespmem:$0x18200] =	vst v63  }
0x8a: {  	s15 =	simm.s32 $0xB200  }
0x8b: {  	[tilespmem:s15], [sflag:$0x1] =	stream.indirect_vreg.gather [hbm4b:s6+s5], $0x80, v3, vm0, $0xb8;
	[tilespmem:$0x18200] =	vst v63  }
0x8c: {  	s24 =	simm.s32 $0xBA00  }
0x8d: {  	[tilespmem:s24], [sflag:$0x1] =	stream.indirect_vreg.gather [hbm4b:s7+s5], $0x80, v3, vm0, $0xb8;
	[tilespmem:$0x18200] =	vst v63  }
0x8e: {  	_ =	swait.ge [sflag:s20], $0xC000  }
0x8f: {  	[sflag:s20] =	ssyncset.done $0x0  }
0x90: {  	s4 =	rddreg [dreg:$0xf];
	[sflag:s20] =	ssyncadd.s32 $0xFFFF4000  }
0x91: {  	[hbm4b:s4+s5] =	stream.linear.scatter [tilespmem:s14], [sflag:$0x3], $0xC000, $0x38;
	[tilespmem:$0x18200] =	vst v63  }
0x92: {  	s15 =	rddreg [dreg:$0x10]  }
0x93: {  	[hbm4b:s15+s5] =	stream.linear.scatter [tilespmem:s14], [sflag:$0x3], $0xC000, $0x38;
	[tilespmem:$0x18200] =	vst v63  }
0x94: {  	v3 =	vld [tilespmem:$0x80];
	_ =	sdelay $0x4  }
0x95: {  	v20 =	vshrl.u32 v3, $0x3  }
0x96: {  	v4 =	vmul.u32 $0x30, v20  }
0x97: {  	v3 =	vand.u32 $0x7, v3  }
0x98: {  	v3 =	vor.u32 v3, v4  }
0x99: {  	v4 =	vperm.xlane v3, v0;
	_ =	sdelay $0x1  }
0x9a: {  	v4 =	vadd.s32 v1, v4;
	_ =	sdelay $0x3  }
0x9b: {  	v3 =	vperm.xlane v3, v2  }
0x9c: {  	[tilespmem:s21], [sflag:$0x2] =	stream.indirect_vreg.gather [hbm4b:s0+s5], $0x80, v4, vm0, $0xb8;
	[tilespmem:$0x18200] =	vst v63  }
0x9d: {  	s15 =	simm.s32 $0xCA00;
	v3 =	vadd.s32 v1, v3  }
0x9e: {  	[tilespmem:s15], [sflag:$0x2] =	stream.indirect_vreg.gather [hbm4b:s6+s5], $0x80, v4, vm0, $0xb8;
	[tilespmem:$0x18200] =	vst v63  }
0x9f: {  	s15 =	simm.s32 $0xD200  }
0xa0: {  	[tilespmem:s15], [sflag:$0x2] =	stream.indirect_vreg.gather [hbm4b:s7+s5], $0x80, v4, vm0, $0xb8;
	[tilespmem:$0x18200] =	vst v63  }
0xa1: {  	s15 =	simm.s32 $0xDA00  }
0xa2: {  	[tilespmem:s15], [sflag:$0x2] =	stream.indirect_vreg.gather [hbm4b:s0+s5], $0x80, v3, vm0, $0xb8;
	[tilespmem:$0x18200] =	vst v63  }
0xa3: {  	s15 =	simm.s32 $0xE200  }
0xa4: {  	[tilespmem:s15], [sflag:$0x2] =	stream.indirect_vreg.gather [hbm4b:s6+s5], $0x80, v3, vm0, $0xb8;
	[tilespmem:$0x18200] =	vst v63  }
0xa5: {  	s15 =	simm.s32 $0xEA00  }
0xa6: {  	[tilespmem:s15], [sflag:$0x2] =	stream.indirect_vreg.gather [hbm4b:s7+s5], $0x80, v3, vm0, $0xb8;
	[tilespmem:$0x18200] =	vst v63  }
0xa7: {  	v3 =	vld [tilespmem:$0x90];
	_ =	sdelay $0x4  }
0xa8: {  	v21 =	vshrl.u32 v3, $0x3  }
0xa9: {  	v4 =	vmul.u32 $0x30, v21  }
0xaa: {  	v3 =	vand.u32 $0x7, v3  }
0xab: {  	v3 =	vor.u32 v3, v4  }
0xac: {  	v4 =	vperm.xlane v3, v0;
	_ =	sdelay $0x1  }
0xad: {  	v4 =	vadd.s32 v1, v4;
	_ =	sdelay $0x3  }
0xae: {  	s15 =	simm.s32 $0xF200;
	v3 =	vperm.xlane v3, v2  }
0xaf: {  	[tilespmem:s15], [sflag:$0x2] =	stream.indirect_vreg.gather [hbm4b:s0+s5], $0x80, v4, vm0, $0xb8;
	[tilespmem:$0x18200] =	vst v63  }
0xb0: {  	v3 =	vadd.s32 v1, v3;
	s15 =	simm.s32 $0xFA00  }
0xb1: {  	[tilespmem:s15], [sflag:$0x2] =	stream.indirect_vreg.gather [hbm4b:s6+s5], $0x80, v4, vm0, $0xb8;
	[tilespmem:$0x18200] =	vst v63  }
0xb2: {  	s15 =	simm.s32 $0x10200  }
0xb3: {  	[tilespmem:s15], [sflag:$0x2] =	stream.indirect_vreg.gather [hbm4b:s7+s5], $0x80, v4, vm0, $0xb8;
	[tilespmem:$0x18200] =	vst v63  }
0xb4: {  	s15 =	simm.s32 $0x10A00  }
0xb5: {  	[tilespmem:s15], [sflag:$0x2] =	stream.indirect_vreg.gather [hbm4b:s0+s5], $0x80, v3, vm0, $0xb8;
	[tilespmem:$0x18200] =	vst v63  }
0xb6: {  	s15 =	simm.s32 $0x11200  }
0xb7: {  	[tilespmem:s15], [sflag:$0x2] =	stream.indirect_vreg.gather [hbm4b:s6+s5], $0x80, v3, vm0, $0xb8;
	[tilespmem:$0x18200] =	vst v63  }
0xb8: {  	s15 =	simm.s32 $0x11A00  }
0xb9: {  	[tilespmem:s15], [sflag:$0x2] =	stream.indirect_vreg.gather [hbm4b:s7+s5], $0x80, v3, vm0, $0xb8;
	[tilespmem:$0x18200] =	vst v63  }
0xba: {  	v3 =	vld [tilespmem:$0xA0];
	_ =	sdelay $0x4  }
0xbb: {  	v22 =	vshrl.u32 v3, $0x3  }
0xbc: {  	v4 =	vmul.u32 $0x30, v22  }
0xbd: {  	v3 =	vand.u32 $0x7, v3  }
0xbe: {  	v3 =	vor.u32 v3, v4  }
0xbf: {  	v4 =	vperm.xlane v3, v0;
	_ =	sdelay $0x1  }
0xc0: {  	v4 =	vadd.s32 v1, v4;
	_ =	sdelay $0x3  }
0xc1: {  	s15 =	simm.s32 $0x12200;
	v3 =	vperm.xlane v3, v2  }
0xc2: {  	[tilespmem:s15], [sflag:$0x2] =	stream.indirect_vreg.gather [hbm4b:s0+s5], $0x80, v4, vm0, $0xb8;
	[tilespmem:$0x18200] =	vst v63  }
0xc3: {  	v3 =	vadd.s32 v1, v3;
	s15 =	simm.s32 $0x12A00  }
0xc4: {  	[tilespmem:s15], [sflag:$0x2] =	stream.indirect_vreg.gather [hbm4b:s6+s5], $0x80, v4, vm0, $0xb8;
	[tilespmem:$0x18200] =	vst v63  }
0xc5: {  	s15 =	simm.s32 $0x13200  }
0xc6: {  	[tilespmem:s15], [sflag:$0x2] =	stream.indirect_vreg.gather [hbm4b:s7+s5], $0x80, v4, vm0, $0xb8;
	[tilespmem:$0x18200] =	vst v63  }
0xc7: {  	s15 =	simm.s32 $0x13A00  }
0xc8: {  	[tilespmem:s15], [sflag:$0x2] =	stream.indirect_vreg.gather [hbm4b:s0+s5], $0x80, v3, vm0, $0xb8;
	[tilespmem:$0x18200] =	vst v63  }
0xc9: {  	s15 =	simm.s32 $0x14200  }
0xca: {  	[tilespmem:s15], [sflag:$0x2] =	stream.indirect_vreg.gather [hbm4b:s6+s5], $0x80, v3, vm0, $0xb8;
	[tilespmem:$0x18200] =	vst v63  }
0xcb: {  	s15 =	simm.s32 $0x14A00  }
0xcc: {  	[tilespmem:s15], [sflag:$0x2] =	stream.indirect_vreg.gather [hbm4b:s7+s5], $0x80, v3, vm0, $0xb8;
	[tilespmem:$0x18200] =	vst v63  }
0xcd: {  	v3 =	vld [tilespmem:$0xB0];
	_ =	sdelay $0x4  }
0xce: {  	v23 =	vshrl.u32 v3, $0x3  }
0xcf: {  	v4 =	vmul.u32 $0x30, v23  }
0xd0: {  	v3 =	vand.u32 $0x7, v3  }
0xd1: {  	v3 =	vor.u32 v3, v4  }
0xd2: {  	v4 =	vperm.xlane v3, v0;
	_ =	sdelay $0x1  }
0xd3: {  	v4 =	vadd.s32 v1, v4;
	_ =	sdelay $0x3  }
0xd4: {  	s15 =	simm.s32 $0x15200;
	v3 =	vperm.xlane v3, v2  }
0xd5: {  	[tilespmem:s15], [sflag:$0x2] =	stream.indirect_vreg.gather [hbm4b:s0+s5], $0x80, v4, vm0, $0xb8;
	[tilespmem:$0x18200] =	vst v63  }
0xd6: {  	v3 =	vadd.s32 v1, v3;
	s15 =	simm.s32 $0x15A00  }
0xd7: {  	[tilespmem:s15], [sflag:$0x2] =	stream.indirect_vreg.gather [hbm4b:s6+s5], $0x80, v4, vm0, $0xb8;
	[tilespmem:$0x18200] =	vst v63  }
0xd8: {  	s15 =	simm.s32 $0x16200  }
0xd9: {  	[tilespmem:s15], [sflag:$0x2] =	stream.indirect_vreg.gather [hbm4b:s7+s5], $0x80, v4, vm0, $0xb8;
	[tilespmem:$0x18200] =	vst v63  }
0xda: {  	s15 =	simm.s32 $0x16A00  }
0xdb: {  	[tilespmem:s15], [sflag:$0x2] =	stream.indirect_vreg.gather [hbm4b:s0+s5], $0x80, v3, vm0, $0xb8;
	[tilespmem:$0x18200] =	vst v63  }
0xdc: {  	s15 =	simm.s32 $0x17200  }
0xdd: {  	[tilespmem:s15], [sflag:$0x2] =	stream.indirect_vreg.gather [hbm4b:s6+s5], $0x80, v3, vm0, $0xb8;
	[tilespmem:$0x18200] =	vst v63  }
0xde: {  	s15 =	simm.s32 $0x17A00  }
0xdf: {  	[tilespmem:s15], [sflag:$0x2] =	stream.indirect_vreg.gather [hbm4b:s7+s5], $0x80, v3, vm0, $0xb8;
	[tilespmem:$0x18200] =	vst v63  }
0xe0: {  	_ =	swait.ge [sflag:s30], $0xC000  }
0xe1: {  	[sflag:s30] =	ssyncset.done $0x0  }
0xe2: {  	s4 =	rddreg [dreg:$0x11];
	[sflag:s30] =	ssyncadd.s32 $0xFFFF4000  }
0xe3: {  	[hbm4b:s4+s5] =	stream.linear.scatter [tilespmem:s21], [sflag:$0x4], $0xC000, $0x38;
	[tilespmem:$0x18200] =	vst v63  }
0xe4: {  	s15 =	rddreg [dreg:$0x12]  }
0xe5: {  	[hbm4b:s15+s5] =	stream.linear.scatter [tilespmem:s21], [sflag:$0x4], $0xC000, $0x38;
	[tilespmem:$0x18200] =	vst v63  }
0xe6: {  	_ =	swait.ge [sflag:s31], $0xC000  }
0xe7: {  	[sflag:s31] =	ssyncset.done $0x0  }
0xe8: {  	[sflag:s31] =	ssyncadd.s32 $0xFFFF4000  }
0xe9: {  	_ =	swait.ge [sflag:s31], $0xC000  }
0xea: {  	[sflag:s31] =	ssyncset.done $0x0  }
0xeb: {  	[sflag:s31] =	ssyncadd.s32 $0xFFFF4000  }
0xec: {  	v3 =	vld [tilespmem:$0x100];
	_ =	sdelay $0x4  }
0xed: {  	v24 =	vshrl.u32 v3, $0x3  }
0xee: {  	v4 =	vmul.u32 $0x30, v24  }
0xef: {  	v3 =	vand.u32 $0x7, v3  }
0xf0: {  	v3 =	vor.u32 v3, v4  }
0xf1: {  	v4 =	vperm.xlane v3, v0;
	_ =	sdelay $0x1  }
0xf2: {  	v4 =	vadd.s32 v1, v4;
	_ =	sdelay $0x3  }
0xf3: {  	v3 =	vperm.xlane v3, v2  }
0xf4: {  	[tilespmem:s14], [sflag:$0x1] =	stream.indirect_vreg.gather [hbm4b:s0+s5], $0x80, v4, vm0, $0xb8;
	[tilespmem:$0x18200] =	vst v63  }
0xf5: {  	s15 =	simm.s32 $0xA00;
	v3 =	vadd.s32 v1, v3  }
0xf6: {  	[tilespmem:s15], [sflag:$0x1] =	stream.indirect_vreg.gather [hbm4b:s6+s5], $0x80, v4, vm0, $0xb8;
	[tilespmem:$0x18200] =	vst v63  }
0xf7: {  	s15 =	simm.s32 $0x1200  }
0xf8: {  	[tilespmem:s15], [sflag:$0x1] =	stream.indirect_vreg.gather [hbm4b:s7+s5], $0x80, v4, vm0, $0xb8;
	[tilespmem:$0x18200] =	vst v63  }
0xf9: {  	s15 =	simm.s32 $0x1A00  }
0xfa: {  	[tilespmem:s15], [sflag:$0x1] =	stream.indirect_vreg.gather [hbm4b:s0+s5], $0x80, v3, vm0, $0xb8;
	[tilespmem:$0x18200] =	vst v63  }
0xfb: {  	s15 =	simm.s32 $0x2200  }
0xfc: {  	[tilespmem:s15], [sflag:$0x1] =	stream.indirect_vreg.gather [hbm4b:s6+s5], $0x80, v3, vm0, $0xb8;
	[tilespmem:$0x18200] =	vst v63  }
0xfd: {  	s16 =	simm.s32 $0x2A00  }
0xfe: {  	[tilespmem:s16], [sflag:$0x1] =	stream.indirect_vreg.gather [hbm4b:s7+s5], $0x80, v3, vm0, $0xb8;
	[tilespmem:$0x18200] =	vst v63  }
0xff: {  	v3 =	vld [tilespmem:$0x110];
	_ =	sdelay $0x4  }
0x100: {  	v25 =	vshrl.u32 v3, $0x3  }
0x101: {  	v4 =	vmul.u32 $0x30, v25  }
0x102: {  	v3 =	vand.u32 $0x7, v3  }
0x103: {  	v3 =	vor.u32 v3, v4  }
0x104: {  	v4 =	vperm.xlane v3, v0;
	_ =	sdelay $0x1  }
0x105: {  	v4 =	vadd.s32 v1, v4;
	_ =	sdelay $0x3  }
0x106: {  	s17 =	simm.s32 $0x3200;
	v3 =	vperm.xlane v3, v2  }
0x107: {  	[tilespmem:s17], [sflag:$0x1] =	stream.indirect_vreg.gather [hbm4b:s0+s5], $0x80, v4, vm0, $0xb8;
	[tilespmem:$0x18200] =	vst v63  }
0x108: {  	s15 =	simm.s32 $0x3A00;
	v3 =	vadd.s32 v1, v3  }
0x109: {  	[tilespmem:s15], [sflag:$0x1] =	stream.indirect_vreg.gather [hbm4b:s6+s5], $0x80, v4, vm0, $0xb8;
	[tilespmem:$0x18200] =	vst v63  }
0x10a: {  	s16 =	simm.s32 $0x4200  }
0x10b: {  	[tilespmem:s16], [sflag:$0x1] =	stream.indirect_vreg.gather [hbm4b:s7+s5], $0x80, v4, vm0, $0xb8;
	[tilespmem:$0x18200] =	vst v63  }
0x10c: {  	s17 =	simm.s32 $0x4A00  }
0x10d: {  	[tilespmem:s17], [sflag:$0x1] =	stream.indirect_vreg.gather [hbm4b:s0+s5], $0x80, v3, vm0, $0xb8;
	[tilespmem:$0x18200] =	vst v63  }
0x10e: {  	s25 =	simm.s32 $0x5200  }
0x10f: {  	[tilespmem:s25], [sflag:$0x1] =	stream.indirect_vreg.gather [hbm4b:s6+s5], $0x80, v3, vm0, $0xb8;
	[tilespmem:$0x18200] =	vst v63  }
0x110: {  	s18 =	simm.s32 $0x5A00  }
0x111: {  	[tilespmem:s18], [sflag:$0x1] =	stream.indirect_vreg.gather [hbm4b:s7+s5], $0x80, v3, vm0, $0xb8;
	[tilespmem:$0x18200] =	vst v63  }
0x112: {  	v3 =	vld [tilespmem:$0x120];
	_ =	sdelay $0x4  }
0x113: {  	v26 =	vshrl.u32 v3, $0x3  }
0x114: {  	v4 =	vmul.u32 $0x30, v26  }
0x115: {  	v3 =	vand.u32 $0x7, v3  }
0x116: {  	v3 =	vor.u32 v3, v4  }
0x117: {  	v4 =	vperm.xlane v3, v0;
	_ =	sdelay $0x1  }
0x118: {  	v4 =	vadd.s32 v1, v4;
	_ =	sdelay $0x3  }
0x119: {  	s19 =	simm.s32 $0x6200;
	v3 =	vperm.xlane v3, v2  }
0x11a: {  	[tilespmem:s19], [sflag:$0x1] =	stream.indirect_vreg.gather [hbm4b:s0+s5], $0x80, v4, vm0, $0xb8;
	[tilespmem:$0x18200] =	vst v63  }
0x11b: {  	s26 =	simm.s32 $0x6A00;
	v3 =	vadd.s32 v1, v3  }
0x11c: {  	[tilespmem:s26], [sflag:$0x1] =	stream.indirect_vreg.gather [hbm4b:s6+s5], $0x80, v4, vm0, $0xb8;
	[tilespmem:$0x18200] =	vst v63  }
0x11d: {  	s28 =	simm.s32 $0x7200  }
0x11e: {  	[tilespmem:s28], [sflag:$0x1] =	stream.indirect_vreg.gather [hbm4b:s7+s5], $0x80, v4, vm0, $0xb8;
	[tilespmem:$0x18200] =	vst v63  }
0x11f: {  	s29 =	simm.s32 $0x7A00  }
0x120: {  	[tilespmem:s29], [sflag:$0x1] =	stream.indirect_vreg.gather [hbm4b:s0+s5], $0x80, v3, vm0, $0xb8;
	[tilespmem:$0x18200] =	vst v63  }
0x121: {  	s19 =	simm.s32 $0x8200  }
0x122: {  	[tilespmem:s19], [sflag:$0x1] =	stream.indirect_vreg.gather [hbm4b:s6+s5], $0x80, v3, vm0, $0xb8;
	[tilespmem:$0x18200] =	vst v63  }
0x123: {  	s22 =	simm.s32 $0x8A00  }
0x124: {  	[tilespmem:s22], [sflag:$0x1] =	stream.indirect_vreg.gather [hbm4b:s7+s5], $0x80, v3, vm0, $0xb8;
	[tilespmem:$0x18200] =	vst v63  }
0x125: {  	v3 =	vld [tilespmem:$0x130];
	_ =	sdelay $0x4  }
0x126: {  	v27 =	vshrl.u32 v3, $0x3  }
0x127: {  	v4 =	vmul.u32 $0x30, v27  }
0x128: {  	v3 =	vand.u32 $0x7, v3  }
0x129: {  	v3 =	vor.u32 v3, v4  }
0x12a: {  	v4 =	vperm.xlane v3, v0;
	_ =	sdelay $0x1  }
0x12b: {  	v4 =	vadd.s32 v1, v4;
	_ =	sdelay $0x3  }
0x12c: {  	s23 =	simm.s32 $0x9200;
	v3 =	vperm.xlane v3, v2  }
0x12d: {  	[tilespmem:s23], [sflag:$0x1] =	stream.indirect_vreg.gather [hbm4b:s0+s5], $0x80, v4, vm0, $0xb8;
	[tilespmem:$0x18200] =	vst v63  }
0x12e: {  	s22 =	simm.s32 $0x9A00;
	v3 =	vadd.s32 v1, v3  }
0x12f: {  	[tilespmem:s22], [sflag:$0x1] =	stream.indirect_vreg.gather [hbm4b:s6+s5], $0x80, v4, vm0, $0xb8;
	[tilespmem:$0x18200] =	vst v63  }
0x130: {  	s23 =	simm.s32 $0xA200  }
0x131: {  	[tilespmem:s23], [sflag:$0x1] =	stream.indirect_vreg.gather [hbm4b:s7+s5], $0x80, v4, vm0, $0xb8;
	[tilespmem:$0x18200] =	vst v63  }
0x132: {  	s25 =	simm.s32 $0xAA00  }
0x133: {  	[tilespmem:s25], [sflag:$0x1] =	stream.indirect_vreg.gather [hbm4b:s0+s5], $0x80, v3, vm0, $0xb8;
	[tilespmem:$0x18200] =	vst v63  }
0x134: {  	s26 =	simm.s32 $0xB200  }
0x135: {  	[tilespmem:s26], [sflag:$0x1] =	stream.indirect_vreg.gather [hbm4b:s6+s5], $0x80, v3, vm0, $0xb8;
	[tilespmem:$0x18200] =	vst v63  }
0x136: {  	s24 =	simm.s32 $0xBA00  }
0x137: {  	[tilespmem:s24], [sflag:$0x1] =	stream.indirect_vreg.gather [hbm4b:s7+s5], $0x80, v3, vm0, $0xb8;
	[tilespmem:$0x18200] =	vst v63  }
0x138: {  	_ =	swait.ge [sflag:s20], $0xC000  }
0x139: {  	[sflag:s20] =	ssyncset.done $0x0  }
0x13a: {  	s28 =	rddreg [dreg:$0x13];
	[sflag:s20] =	ssyncadd.s32 $0xFFFF4000  }
0x13b: {  	[hbm4b:s28+s5] =	stream.linear.scatter [tilespmem:s14], [sflag:$0x3], $0xC000, $0x38;
	[tilespmem:$0x18200] =	vst v63  }
0x13c: {  	s29 =	rddreg [dreg:$0x14]  }
0x13d: {  	[hbm4b:s29+s5] =	stream.linear.scatter [tilespmem:s14], [sflag:$0x3], $0xC000, $0x38;
	[tilespmem:$0x18200] =	vst v63  }
0x13e: {  	_ =	swait.ge [sflag:s3], $0xC000  }
0x13f: {  	[sflag:s3] =	ssyncset.done $0x0  }
0x140: {  	[sflag:s3] =	ssyncadd.s32 $0xFFFF4000  }
0x141: {  	_ =	swait.ge [sflag:s3], $0xC000  }
0x142: {  	[sflag:s3] =	ssyncset.done $0x0  }
0x143: {  	[sflag:s3] =	ssyncadd.s32 $0xFFFF4000  }
0x144: {  	v3 =	vld [tilespmem:$0x180];
	_ =	sdelay $0x4  }
0x145: {  	v28 =	vshrl.u32 v3, $0x3  }
0x146: {  	v4 =	vmul.u32 $0x30, v28  }
0x147: {  	v3 =	vand.u32 $0x7, v3  }
0x148: {  	v3 =	vor.u32 v3, v4  }
0x149: {  	v4 =	vperm.xlane v3, v0;
	_ =	sdelay $0x1  }
0x14a: {  	v4 =	vadd.s32 v1, v4;
	_ =	sdelay $0x3  }
0x14b: {  	v3 =	vperm.xlane v3, v2  }
0x14c: {  	[tilespmem:s21], [sflag:$0x2] =	stream.indirect_vreg.gather [hbm4b:s0+s5], $0x80, v4, vm0, $0xb8;
	[tilespmem:$0x18200] =	vst v63  }
0x14d: {  	s15 =	simm.s32 $0xCA00;
	v3 =	vadd.s32 v1, v3  }
0x14e: {  	[tilespmem:s15], [sflag:$0x2] =	stream.indirect_vreg.gather [hbm4b:s6+s5], $0x80, v4, vm0, $0xb8;
	[tilespmem:$0x18200] =	vst v63  }
0x14f: {  	s16 =	simm.s32 $0xD200  }
0x150: {  	[tilespmem:s16], [sflag:$0x2] =	stream.indirect_vreg.gather [hbm4b:s7+s5], $0x80, v4, vm0, $0xb8;
	[tilespmem:$0x18200] =	vst v63  }
0x151: {  	s17 =	simm.s32 $0xDA00  }
0x152: {  	[tilespmem:s17], [sflag:$0x2] =	stream.indirect_vreg.gather [hbm4b:s0+s5], $0x80, v3, vm0, $0xb8;
	[tilespmem:$0x18200] =	vst v63  }
0x153: {  	s18 =	simm.s32 $0xE200  }
0x154: {  	[tilespmem:s18], [sflag:$0x2] =	stream.indirect_vreg.gather [hbm4b:s6+s5], $0x80, v3, vm0, $0xb8;
	[tilespmem:$0x18200] =	vst v63  }
0x155: {  	s19 =	simm.s32 $0xEA00  }
0x156: {  	[tilespmem:s19], [sflag:$0x2] =	stream.indirect_vreg.gather [hbm4b:s7+s5], $0x80, v3, vm0, $0xb8;
	[tilespmem:$0x18200] =	vst v63  }
0x157: {  	v3 =	vld [tilespmem:$0x190];
	_ =	sdelay $0x4  }
0x158: {  	v29 =	vshrl.u32 v3, $0x3  }
0x159: {  	v4 =	vmul.u32 $0x30, v29  }
0x15a: {  	v3 =	vand.u32 $0x7, v3  }
0x15b: {  	v3 =	vor.u32 v3, v4  }
0x15c: {  	v4 =	vperm.xlane v3, v0;
	_ =	sdelay $0x1  }
0x15d: {  	v4 =	vadd.s32 v1, v4;
	_ =	sdelay $0x3  }
0x15e: {  	s22 =	simm.s32 $0xF200;
	v3 =	vperm.xlane v3, v2  }
0x15f: {  	[tilespmem:s22], [sflag:$0x2] =	stream.indirect_vreg.gather [hbm4b:s0+s5], $0x80, v4, vm0, $0xb8;
	[tilespmem:$0x18200] =	vst v63  }
0x160: {  	s23 =	simm.s32 $0xFA00;
	v3 =	vadd.s32 v1, v3  }
0x161: {  	[tilespmem:s23], [sflag:$0x2] =	stream.indirect_vreg.gather [hbm4b:s6+s5], $0x80, v4, vm0, $0xb8;
	[tilespmem:$0x18200] =	vst v63  }
0x162: {  	s24 =	simm.s32 $0x10200  }
0x163: {  	[tilespmem:s24], [sflag:$0x2] =	stream.indirect_vreg.gather [hbm4b:s7+s5], $0x80, v4, vm0, $0xb8;
	[tilespmem:$0x18200] =	vst v63  }
0x164: {  	s26 =	simm.s32 $0x10A00  }
0x165: {  	[tilespmem:s26], [sflag:$0x2] =	stream.indirect_vreg.gather [hbm4b:s0+s5], $0x80, v3, vm0, $0xb8;
	[tilespmem:$0x18200] =	vst v63  }
0x166: {  	s28 =	simm.s32 $0x11200  }
0x167: {  	[tilespmem:s28], [sflag:$0x2] =	stream.indirect_vreg.gather [hbm4b:s6+s5], $0x80, v3, vm0, $0xb8;
	[tilespmem:$0x18200] =	vst v63  }
0x168: {  	s29 =	simm.s32 $0x11A00  }
0x169: {  	[tilespmem:s29], [sflag:$0x2] =	stream.indirect_vreg.gather [hbm4b:s7+s5], $0x80, v3, vm0, $0xb8;
	[tilespmem:$0x18200] =	vst v63  }
0x16a: {  	v3 =	vld [tilespmem:$0x1A0];
	_ =	sdelay $0x4  }
0x16b: {  	v30 =	vshrl.u32 v3, $0x3  }
0x16c: {  	v4 =	vmul.u32 $0x30, v30  }
0x16d: {  	v3 =	vand.u32 $0x7, v3  }
0x16e: {  	v3 =	vor.u32 v3, v4  }
0x16f: {  	v4 =	vperm.xlane v3, v0;
	_ =	sdelay $0x1  }
0x170: {  	v4 =	vadd.s32 v1, v4;
	_ =	sdelay $0x3  }
0x171: {  	s15 =	simm.s32 $0x12200;
	v3 =	vperm.xlane v3, v2  }
0x172: {  	[tilespmem:s15], [sflag:$0x2] =	stream.indirect_vreg.gather [hbm4b:s0+s5], $0x80, v4, vm0, $0xb8;
	[tilespmem:$0x18200] =	vst v63  }
0x173: {  	s26 =	simm.s32 $0x12A00;
	v3 =	vadd.s32 v1, v3  }
0x174: {  	[tilespmem:s26], [sflag:$0x2] =	stream.indirect_vreg.gather [hbm4b:s6+s5], $0x80, v4, vm0, $0xb8;
	[tilespmem:$0x18200] =	vst v63  }
0x175: {  	s28 =	simm.s32 $0x13200  }
0x176: {  	[tilespmem:s28], [sflag:$0x2] =	stream.indirect_vreg.gather [hbm4b:s7+s5], $0x80, v4, vm0, $0xb8;
	[tilespmem:$0x18200] =	vst v63  }
0x177: {  	s29 =	simm.s32 $0x13A00  }
0x178: {  	[tilespmem:s29], [sflag:$0x2] =	stream.indirect_vreg.gather [hbm4b:s0+s5], $0x80, v3, vm0, $0xb8;
	[tilespmem:$0x18200] =	vst v63  }
0x179: {  	s15 =	simm.s32 $0x14200  }
0x17a: {  	[tilespmem:s15], [sflag:$0x2] =	stream.indirect_vreg.gather [hbm4b:s6+s5], $0x80, v3, vm0, $0xb8;
	[tilespmem:$0x18200] =	vst v63  }
0x17b: {  	s15 =	simm.s32 $0x14A00  }
0x17c: {  	[tilespmem:s15], [sflag:$0x2] =	stream.indirect_vreg.gather [hbm4b:s7+s5], $0x80, v3, vm0, $0xb8;
	[tilespmem:$0x18200] =	vst v63  }
0x17d: {  	v3 =	vld [tilespmem:$0x1B0];
	_ =	sdelay $0x4  }
0x17e: {  	v31 =	vshrl.u32 v3, $0x3  }
0x17f: {  	v4 =	vmul.u32 $0x30, v31  }
0x180: {  	v3 =	vand.u32 $0x7, v3  }
0x181: {  	v3 =	vor.u32 v3, v4  }
0x182: {  	v4 =	vperm.xlane v3, v0;
	_ =	sdelay $0x1  }
0x183: {  	v4 =	vadd.s32 v1, v4;
	_ =	sdelay $0x3  }
0x184: {  	s15 =	simm.s32 $0x15200;
	v3 =	vperm.xlane v3, v2  }
0x185: {  	[tilespmem:s15], [sflag:$0x2] =	stream.indirect_vreg.gather [hbm4b:s0+s5], $0x80, v4, vm0, $0xb8;
	[tilespmem:$0x18200] =	vst v63  }
0x186: {  	v3 =	vadd.s32 v1, v3;
	s15 =	simm.s32 $0x15A00  }
0x187: {  	[tilespmem:s15], [sflag:$0x2] =	stream.indirect_vreg.gather [hbm4b:s6+s5], $0x80, v4, vm0, $0xb8;
	[tilespmem:$0x18200] =	vst v63  }
0x188: {  	s15 =	simm.s32 $0x16200  }
0x189: {  	[tilespmem:s15], [sflag:$0x2] =	stream.indirect_vreg.gather [hbm4b:s7+s5], $0x80, v4, vm0, $0xb8;
	[tilespmem:$0x18200] =	vst v63  }
0x18a: {  	s15 =	simm.s32 $0x16A00  }
0x18b: {  	[tilespmem:s15], [sflag:$0x2] =	stream.indirect_vreg.gather [hbm4b:s0+s5], $0x80, v3, vm0, $0xb8;
	[tilespmem:$0x18200] =	vst v63  }
0x18c: {  	s15 =	simm.s32 $0x17200  }
0x18d: {  	[tilespmem:s15], [sflag:$0x2] =	stream.indirect_vreg.gather [hbm4b:s6+s5], $0x80, v3, vm0, $0xb8;
	[tilespmem:$0x18200] =	vst v63  }
0x18e: {  	s15 =	simm.s32 $0x17A00  }
0x18f: {  	[tilespmem:s15], [sflag:$0x2] =	stream.indirect_vreg.gather [hbm4b:s7+s5], $0x80, v3, vm0, $0xb8;
	[tilespmem:$0x18200] =	vst v63  }
0x190: {  	_ =	swait.ge [sflag:s30], $0xC000  }
0x191: {  	[sflag:s30] =	ssyncset.done $0x0  }
0x192: {  	s4 =	rddreg [dreg:$0x15];
	[sflag:s30] =	ssyncadd.s32 $0xFFFF4000  }
0x193: {  	[hbm4b:s4+s5] =	stream.linear.scatter [tilespmem:s21], [sflag:$0x4], $0xC000, $0x38;
	[tilespmem:$0x18200] =	vst v63  }
0x194: {  	s15 =	rddreg [dreg:$0x16]  }
0x195: {  	[hbm4b:s15+s5] =	stream.linear.scatter [tilespmem:s21], [sflag:$0x4], $0xC000, $0x38;
	[tilespmem:$0x18200] =	vst v63  }
0x196: {  	_ =	swait.ge [sflag:s31], $0xC000  }
0x197: {  	[sflag:s31] =	ssyncset.done $0x0  }
0x198: {  	[sflag:s31] =	ssyncadd.s32 $0xFFFF4000  }
0x199: {  	_ =	swait.ge [sflag:s31], $0xC000  }
0x19a: {  	[sflag:s31] =	ssyncset.done $0x0  }
0x19b: {  	[sflag:s31] =	ssyncadd.s32 $0xFFFF4000  }
0x19c: {  	v3 =	vld [tilespmem:$0x0];
	_ =	sdelay $0x4  }
0x19d: {  	v32 =	vshrl.u32 v3, $0x3  }
0x19e: {  	v4 =	vmul.u32 $0x30, v32  }
0x19f: {  	v3 =	vand.u32 $0x7, v3  }
0x1a0: {  	v3 =	vor.u32 v3, v4  }
0x1a1: {  	v4 =	vperm.xlane v3, v0;
	_ =	sdelay $0x1  }
0x1a2: {  	v4 =	vadd.s32 v1, v4;
	_ =	sdelay $0x3  }
0x1a3: {  	v3 =	vperm.xlane v3, v2  }
0x1a4: {  	[tilespmem:s14], [sflag:$0x1] =	stream.indirect_vreg.gather [hbm4b:s1+s5], $0x80, v4, vm0, $0xb8;
	[tilespmem:$0x18200] =	vst v63  }
0x1a5: {  	s15 =	simm.s32 $0xA00;
	v3 =	vadd.s32 v1, v3  }
0x1a6: {  	[tilespmem:s15], [sflag:$0x1] =	stream.indirect_vreg.gather [hbm4b:s8+s5], $0x80, v4, vm0, $0xb8;
	[tilespmem:$0x18200] =	vst v63  }
0x1a7: {  	s15 =	simm.s32 $0x1200  }
0x1a8: {  	[tilespmem:s15], [sflag:$0x1] =	stream.indirect_vreg.gather [hbm4b:s9+s5], $0x80, v4, vm0, $0xb8;
	[tilespmem:$0x18200] =	vst v63  }
0x1a9: {  	s15 =	simm.s32 $0x1A00  }
0x1aa: {  	[tilespmem:s15], [sflag:$0x1] =	stream.indirect_vreg.gather [hbm4b:s1+s5], $0x80, v3, vm0, $0xb8;
	[tilespmem:$0x18200] =	vst v63  }
0x1ab: {  	s15 =	simm.s32 $0x2200  }
0x1ac: {  	[tilespmem:s15], [sflag:$0x1] =	stream.indirect_vreg.gather [hbm4b:s8+s5], $0x80, v3, vm0, $0xb8;
	[tilespmem:$0x18200] =	vst v63  }
0x1ad: {  	s15 =	simm.s32 $0x2A00  }
0x1ae: {  	[tilespmem:s15], [sflag:$0x1] =	stream.indirect_vreg.gather [hbm4b:s9+s5], $0x80, v3, vm0, $0xb8;
	[tilespmem:$0x18200] =	vst v63  }
0x1af: {  	v3 =	vld [tilespmem:$0x10];
	_ =	sdelay $0x4  }
0x1b0: {  	v33 =	vshrl.u32 v3, $0x3  }
0x1b1: {  	v4 =	vmul.u32 $0x30, v33  }
0x1b2: {  	v3 =	vand.u32 $0x7, v3  }
0x1b3: {  	v3 =	vor.u32 v3, v4  }
0x1b4: {  	v4 =	vperm.xlane v3, v0;
	_ =	sdelay $0x1  }
0x1b5: {  	v4 =	vadd.s32 v1, v4;
	_ =	sdelay $0x3  }
0x1b6: {  	s15 =	simm.s32 $0x3200;
	v3 =	vperm.xlane v3, v2  }
0x1b7: {  	[tilespmem:s15], [sflag:$0x1] =	stream.indirect_vreg.gather [hbm4b:s1+s5], $0x80, v4, vm0, $0xb8;
	[tilespmem:$0x18200] =	vst v63  }
0x1b8: {  	v3 =	vadd.s32 v1, v3;
	s15 =	simm.s32 $0x3A00  }
0x1b9: {  	[tilespmem:s15], [sflag:$0x1] =	stream.indirect_vreg.gather [hbm4b:s8+s5], $0x80, v4, vm0, $0xb8;
	[tilespmem:$0x18200] =	vst v63  }
0x1ba: {  	s15 =	simm.s32 $0x4200  }
0x1bb: {  	[tilespmem:s15], [sflag:$0x1] =	stream.indirect_vreg.gather [hbm4b:s9+s5], $0x80, v4, vm0, $0xb8;
	[tilespmem:$0x18200] =	vst v63  }
0x1bc: {  	s15 =	simm.s32 $0x4A00  }
0x1bd: {  	[tilespmem:s15], [sflag:$0x1] =	stream.indirect_vreg.gather [hbm4b:s1+s5], $0x80, v3, vm0, $0xb8;
	[tilespmem:$0x18200] =	vst v63  }
0x1be: {  	s15 =	simm.s32 $0x5200  }
0x1bf: {  	[tilespmem:s15], [sflag:$0x1] =	stream.indirect_vreg.gather [hbm4b:s8+s5], $0x80, v3, vm0, $0xb8;
	[tilespmem:$0x18200] =	vst v63  }
0x1c0: {  	s15 =	simm.s32 $0x5A00  }
0x1c1: {  	[tilespmem:s15], [sflag:$0x1] =	stream.indirect_vreg.gather [hbm4b:s9+s5], $0x80, v3, vm0, $0xb8;
	[tilespmem:$0x18200] =	vst v63  }
0x1c2: {  	v3 =	vld [tilespmem:$0x20];
	_ =	sdelay $0x4  }
0x1c3: {  	v34 =	vshrl.u32 v3, $0x3  }
0x1c4: {  	v4 =	vmul.u32 $0x30, v34  }
0x1c5: {  	v3 =	vand.u32 $0x7, v3  }
0x1c6: {  	v3 =	vor.u32 v3, v4  }
0x1c7: {  	v4 =	vperm.xlane v3, v0;
	_ =	sdelay $0x1  }
0x1c8: {  	v4 =	vadd.s32 v1, v4;
	_ =	sdelay $0x3  }
0x1c9: {  	s15 =	simm.s32 $0x6200;
	v3 =	vperm.xlane v3, v2  }
0x1ca: {  	[tilespmem:s15], [sflag:$0x1] =	stream.indirect_vreg.gather [hbm4b:s1+s5], $0x80, v4, vm0, $0xb8;
	[tilespmem:$0x18200] =	vst v63  }
0x1cb: {  	v3 =	vadd.s32 v1, v3;
	s15 =	simm.s32 $0x6A00  }
0x1cc: {  	[tilespmem:s15], [sflag:$0x1] =	stream.indirect_vreg.gather [hbm4b:s8+s5], $0x80, v4, vm0, $0xb8;
	[tilespmem:$0x18200] =	vst v63  }
0x1cd: {  	s15 =	simm.s32 $0x7200  }
0x1ce: {  	[tilespmem:s15], [sflag:$0x1] =	stream.indirect_vreg.gather [hbm4b:s9+s5], $0x80, v4, vm0, $0xb8;
	[tilespmem:$0x18200] =	vst v63  }
0x1cf: {  	s15 =	simm.s32 $0x7A00  }
0x1d0: {  	[tilespmem:s15], [sflag:$0x1] =	stream.indirect_vreg.gather [hbm4b:s1+s5], $0x80, v3, vm0, $0xb8;
	[tilespmem:$0x18200] =	vst v63  }
0x1d1: {  	s15 =	simm.s32 $0x8200  }
0x1d2: {  	[tilespmem:s15], [sflag:$0x1] =	stream.indirect_vreg.gather [hbm4b:s8+s5], $0x80, v3, vm0, $0xb8;
	[tilespmem:$0x18200] =	vst v63  }
0x1d3: {  	s15 =	simm.s32 $0x8A00  }
0x1d4: {  	[tilespmem:s15], [sflag:$0x1] =	stream.indirect_vreg.gather [hbm4b:s9+s5], $0x80, v3, vm0, $0xb8;
	[tilespmem:$0x18200] =	vst v63  }
0x1d5: {  	v3 =	vld [tilespmem:$0x30];
	_ =	sdelay $0x4  }
0x1d6: {  	v35 =	vshrl.u32 v3, $0x3  }
0x1d7: {  	v4 =	vmul.u32 $0x30, v35  }
0x1d8: {  	v3 =	vand.u32 $0x7, v3  }
0x1d9: {  	v3 =	vor.u32 v3, v4  }
0x1da: {  	v4 =	vperm.xlane v3, v0;
	_ =	sdelay $0x1  }
0x1db: {  	v4 =	vadd.s32 v1, v4;
	_ =	sdelay $0x3  }
0x1dc: {  	s15 =	simm.s32 $0x9200;
	v3 =	vperm.xlane v3, v2  }
0x1dd: {  	[tilespmem:s15], [sflag:$0x1] =	stream.indirect_vreg.gather [hbm4b:s1+s5], $0x80, v4, vm0, $0xb8;
	[tilespmem:$0x18200] =	vst v63  }
0x1de: {  	v3 =	vadd.s32 v1, v3;
	s15 =	simm.s32 $0x9A00  }
0x1df: {  	[tilespmem:s15], [sflag:$0x1] =	stream.indirect_vreg.gather [hbm4b:s8+s5], $0x80, v4, vm0, $0xb8;
	[tilespmem:$0x18200] =	vst v63  }
0x1e0: {  	s15 =	simm.s32 $0xA200  }
0x1e1: {  	[tilespmem:s15], [sflag:$0x1] =	stream.indirect_vreg.gather [hbm4b:s9+s5], $0x80, v4, vm0, $0xb8;
	[tilespmem:$0x18200] =	vst v63  }
0x1e2: {  	s15 =	simm.s32 $0xAA00  }
0x1e3: {  	[tilespmem:s15], [sflag:$0x1] =	stream.indirect_vreg.gather [hbm4b:s1+s5], $0x80, v3, vm0, $0xb8;
	[tilespmem:$0x18200] =	vst v63  }
0x1e4: {  	s15 =	simm.s32 $0xB200  }
0x1e5: {  	[tilespmem:s15], [sflag:$0x1] =	stream.indirect_vreg.gather [hbm4b:s8+s5], $0x80, v3, vm0, $0xb8;
	[tilespmem:$0x18200] =	vst v63  }
0x1e6: {  	s15 =	simm.s32 $0xBA00  }
0x1e7: {  	[tilespmem:s15], [sflag:$0x1] =	stream.indirect_vreg.gather [hbm4b:s9+s5], $0x80, v3, vm0, $0xb8;
	[tilespmem:$0x18200] =	vst v63  }
0x1e8: {  	_ =	swait.ge [sflag:s20], $0xC000  }
0x1e9: {  	[sflag:s20] =	ssyncset.done $0x0  }
0x1ea: {  	s4 =	rddreg [dreg:$0x17];
	[sflag:s20] =	ssyncadd.s32 $0xFFFF4000  }
0x1eb: {  	[hbm4b:s4+s5] =	stream.linear.scatter [tilespmem:s14], [sflag:$0x3], $0xC000, $0x38;
	[tilespmem:$0x18200] =	vst v63  }
0x1ec: {  	s15 =	rddreg [dreg:$0x18]  }
0x1ed: {  	[hbm4b:s15+s5] =	stream.linear.scatter [tilespmem:s14], [sflag:$0x3], $0xC000, $0x38;
	[tilespmem:$0x18200] =	vst v63  }
0x1ee: {  	_ =	swait.ge [sflag:s3], $0xC000  }
0x1ef: {  	[sflag:s3] =	ssyncset.done $0x0  }
0x1f0: {  	[sflag:s3] =	ssyncadd.s32 $0xFFFF4000  }
0x1f1: {  	_ =	swait.ge [sflag:s3], $0xC000  }
0x1f2: {  	[sflag:s3] =	ssyncset.done $0x0  }
0x1f3: {  	[sflag:s3] =	ssyncadd.s32 $0xFFFF4000  }
0x1f4: {  	v3 =	vld [tilespmem:$0x80];
	_ =	sdelay $0x4  }
0x1f5: {  	v36 =	vshrl.u32 v3, $0x3  }
0x1f6: {  	v4 =	vmul.u32 $0x30, v36  }
0x1f7: {  	v3 =	vand.u32 $0x7, v3  }
0x1f8: {  	v3 =	vor.u32 v3, v4  }
0x1f9: {  	v4 =	vperm.xlane v3, v0;
	_ =	sdelay $0x1  }
0x1fa: {  	v4 =	vadd.s32 v1, v4;
	_ =	sdelay $0x3  }
0x1fb: {  	v3 =	vperm.xlane v3, v2  }
0x1fc: {  	[tilespmem:s21], [sflag:$0x2] =	stream.indirect_vreg.gather [hbm4b:s1+s5], $0x80, v4, vm0, $0xb8;
	[tilespmem:$0x18200] =	vst v63  }
0x1fd: {  	s25 =	simm.s32 $0xCA00;
	v3 =	vadd.s32 v1, v3  }
0x1fe: {  	[tilespmem:s25], [sflag:$0x2] =	stream.indirect_vreg.gather [hbm4b:s8+s5], $0x80, v4, vm0, $0xb8;
	[tilespmem:$0x18200] =	vst v63  }
0x1ff: {  	s16 =	simm.s32 $0xD200  }
0x200: {  	[tilespmem:s16], [sflag:$0x2] =	stream.indirect_vreg.gather [hbm4b:s9+s5], $0x80, v4, vm0, $0xb8;
	[tilespmem:$0x18200] =	vst v63  }
0x201: {  	s17 =	simm.s32 $0xDA00  }
0x202: {  	[tilespmem:s17], [sflag:$0x2] =	stream.indirect_vreg.gather [hbm4b:s1+s5], $0x80, v3, vm0, $0xb8;
	[tilespmem:$0x18200] =	vst v63  }
0x203: {  	s18 =	simm.s32 $0xE200  }
0x204: {  	[tilespmem:s18], [sflag:$0x2] =	stream.indirect_vreg.gather [hbm4b:s8+s5], $0x80, v3, vm0, $0xb8;
	[tilespmem:$0x18200] =	vst v63  }
0x205: {  	s16 =	simm.s32 $0xEA00  }
0x206: {  	[tilespmem:s16], [sflag:$0x2] =	stream.indirect_vreg.gather [hbm4b:s9+s5], $0x80, v3, vm0, $0xb8;
	[tilespmem:$0x18200] =	vst v63  }
0x207: {  	v3 =	vld [tilespmem:$0x90];
	_ =	sdelay $0x4  }
0x208: {  	v37 =	vshrl.u32 v3, $0x3  }
0x209: {  	v4 =	vmul.u32 $0x30, v37  }
0x20a: {  	v3 =	vand.u32 $0x7, v3  }
0x20b: {  	v3 =	vor.u32 v3, v4  }
0x20c: {  	v4 =	vperm.xlane v3, v0;
	_ =	sdelay $0x1  }
0x20d: {  	v4 =	vadd.s32 v1, v4;
	_ =	sdelay $0x3  }
0x20e: {  	s15 =	simm.s32 $0xF200;
	v3 =	vperm.xlane v3, v2  }
0x20f: {  	[tilespmem:s15], [sflag:$0x2] =	stream.indirect_vreg.gather [hbm4b:s1+s5], $0x80, v4, vm0, $0xb8;
	[tilespmem:$0x18200] =	vst v63  }
0x210: {  	s19 =	simm.s32 $0xFA00;
	v3 =	vadd.s32 v1, v3  }
0x211: {  	[tilespmem:s19], [sflag:$0x2] =	stream.indirect_vreg.gather [hbm4b:s8+s5], $0x80, v4, vm0, $0xb8;
	[tilespmem:$0x18200] =	vst v63  }
0x212: {  	s22 =	simm.s32 $0x10200  }
0x213: {  	[tilespmem:s22], [sflag:$0x2] =	stream.indirect_vreg.gather [hbm4b:s9+s5], $0x80, v4, vm0, $0xb8;
	[tilespmem:$0x18200] =	vst v63  }
0x214: {  	s23 =	simm.s32 $0x10A00  }
0x215: {  	[tilespmem:s23], [sflag:$0x2] =	stream.indirect_vreg.gather [hbm4b:s1+s5], $0x80, v3, vm0, $0xb8;
	[tilespmem:$0x18200] =	vst v63  }
0x216: {  	s24 =	simm.s32 $0x11200  }
0x217: {  	[tilespmem:s24], [sflag:$0x2] =	stream.indirect_vreg.gather [hbm4b:s8+s5], $0x80, v3, vm0, $0xb8;
	[tilespmem:$0x18200] =	vst v63  }
0x218: {  	s16 =	simm.s32 $0x11A00  }
0x219: {  	[tilespmem:s16], [sflag:$0x2] =	stream.indirect_vreg.gather [hbm4b:s9+s5], $0x80, v3, vm0, $0xb8;
	[tilespmem:$0x18200] =	vst v63  }
0x21a: {  	v3 =	vld [tilespmem:$0xA0];
	_ =	sdelay $0x4  }
0x21b: {  	v38 =	vshrl.u32 v3, $0x3  }
0x21c: {  	v4 =	vmul.u32 $0x30, v38  }
0x21d: {  	v3 =	vand.u32 $0x7, v3  }
0x21e: {  	v3 =	vor.u32 v3, v4  }
0x21f: {  	v4 =	vperm.xlane v3, v0;
	_ =	sdelay $0x1  }
0x220: {  	v4 =	vadd.s32 v1, v4;
	_ =	sdelay $0x3  }
0x221: {  	s15 =	simm.s32 $0x12200;
	v3 =	vperm.xlane v3, v2  }
0x222: {  	[tilespmem:s15], [sflag:$0x2] =	stream.indirect_vreg.gather [hbm4b:s1+s5], $0x80, v4, vm0, $0xb8;
	[tilespmem:$0x18200] =	vst v63  }
0x223: {  	s26 =	simm.s32 $0x12A00;
	v3 =	vadd.s32 v1, v3  }
0x224: {  	[tilespmem:s26], [sflag:$0x2] =	stream.indirect_vreg.gather [hbm4b:s8+s5], $0x80, v4, vm0, $0xb8;
	[tilespmem:$0x18200] =	vst v63  }
0x225: {  	s28 =	simm.s32 $0x13200  }
0x226: {  	[tilespmem:s28], [sflag:$0x2] =	stream.indirect_vreg.gather [hbm4b:s9+s5], $0x80, v4, vm0, $0xb8;
	[tilespmem:$0x18200] =	vst v63  }
0x227: {  	s29 =	simm.s32 $0x13A00  }
0x228: {  	[tilespmem:s29], [sflag:$0x2] =	stream.indirect_vreg.gather [hbm4b:s1+s5], $0x80, v3, vm0, $0xb8;
	[tilespmem:$0x18200] =	vst v63  }
0x229: {  	s16 =	simm.s32 $0x14200  }
0x22a: {  	[tilespmem:s16], [sflag:$0x2] =	stream.indirect_vreg.gather [hbm4b:s8+s5], $0x80, v3, vm0, $0xb8;
	[tilespmem:$0x18200] =	vst v63  }
0x22b: {  	s15 =	simm.s32 $0x14A00  }
0x22c: {  	[tilespmem:s15], [sflag:$0x2] =	stream.indirect_vreg.gather [hbm4b:s9+s5], $0x80, v3, vm0, $0xb8;
	[tilespmem:$0x18200] =	vst v63  }
0x22d: {  	v3 =	vld [tilespmem:$0xB0];
	_ =	sdelay $0x4  }
0x22e: {  	v39 =	vshrl.u32 v3, $0x3  }
0x22f: {  	v4 =	vmul.u32 $0x30, v39  }
0x230: {  	v3 =	vand.u32 $0x7, v3  }
0x231: {  	v3 =	vor.u32 v3, v4  }
0x232: {  	v4 =	vperm.xlane v3, v0;
	_ =	sdelay $0x1  }
0x233: {  	v4 =	vadd.s32 v1, v4;
	_ =	sdelay $0x3  }
0x234: {  	s15 =	simm.s32 $0x15200;
	v3 =	vperm.xlane v3, v2  }
0x235: {  	[tilespmem:s15], [sflag:$0x2] =	stream.indirect_vreg.gather [hbm4b:s1+s5], $0x80, v4, vm0, $0xb8;
	[tilespmem:$0x18200] =	vst v63  }
0x236: {  	v3 =	vadd.s32 v1, v3;
	s15 =	simm.s32 $0x15A00  }
0x237: {  	[tilespmem:s15], [sflag:$0x2] =	stream.indirect_vreg.gather [hbm4b:s8+s5], $0x80, v4, vm0, $0xb8;
	[tilespmem:$0x18200] =	vst v63  }
0x238: {  	s15 =	simm.s32 $0x16200  }
0x239: {  	[tilespmem:s15], [sflag:$0x2] =	stream.indirect_vreg.gather [hbm4b:s9+s5], $0x80, v4, vm0, $0xb8;
	[tilespmem:$0x18200] =	vst v63  }
0x23a: {  	s15 =	simm.s32 $0x16A00  }
0x23b: {  	[tilespmem:s15], [sflag:$0x2] =	stream.indirect_vreg.gather [hbm4b:s1+s5], $0x80, v3, vm0, $0xb8;
	[tilespmem:$0x18200] =	vst v63  }
0x23c: {  	s15 =	simm.s32 $0x17200  }
0x23d: {  	[tilespmem:s15], [sflag:$0x2] =	stream.indirect_vreg.gather [hbm4b:s8+s5], $0x80, v3, vm0, $0xb8;
	[tilespmem:$0x18200] =	vst v63  }
0x23e: {  	s15 =	simm.s32 $0x17A00  }
0x23f: {  	[tilespmem:s15], [sflag:$0x2] =	stream.indirect_vreg.gather [hbm4b:s9+s5], $0x80, v3, vm0, $0xb8;
	[tilespmem:$0x18200] =	vst v63  }
0x240: {  	_ =	swait.ge [sflag:s30], $0xC000  }
0x241: {  	[sflag:s30] =	ssyncset.done $0x0  }
0x242: {  	s4 =	rddreg [dreg:$0x19];
	[sflag:s30] =	ssyncadd.s32 $0xFFFF4000  }
0x243: {  	[hbm4b:s4+s5] =	stream.linear.scatter [tilespmem:s21], [sflag:$0x4], $0xC000, $0x38;
	[tilespmem:$0x18200] =	vst v63  }
0x244: {  	s15 =	rddreg [dreg:$0x1a]  }
0x245: {  	[hbm4b:s15+s5] =	stream.linear.scatter [tilespmem:s21], [sflag:$0x4], $0xC000, $0x38;
	[tilespmem:$0x18200] =	vst v63  }
0x246: {  	_ =	swait.ge [sflag:s31], $0xC000  }
0x247: {  	[sflag:s31] =	ssyncset.done $0x0  }
0x248: {  	[sflag:s31] =	ssyncadd.s32 $0xFFFF4000  }
0x249: {  	_ =	swait.ge [sflag:s31], $0xC000  }
0x24a: {  	[sflag:s31] =	ssyncset.done $0x0  }
0x24b: {  	[sflag:s31] =	ssyncadd.s32 $0xFFFF4000  }
0x24c: {  	v3 =	vld [tilespmem:$0x100];
	_ =	sdelay $0x4  }
0x24d: {  	v40 =	vshrl.u32 v3, $0x3  }
0x24e: {  	v4 =	vmul.u32 $0x30, v40  }
0x24f: {  	v3 =	vand.u32 $0x7, v3  }
0x250: {  	v3 =	vor.u32 v3, v4  }
0x251: {  	v4 =	vperm.xlane v3, v0;
	_ =	sdelay $0x1  }
0x252: {  	v4 =	vadd.s32 v1, v4;
	_ =	sdelay $0x3  }
0x253: {  	v3 =	vperm.xlane v3, v2  }
0x254: {  	[tilespmem:s14], [sflag:$0x1] =	stream.indirect_vreg.gather [hbm4b:s1+s5], $0x80, v4, vm0, $0xb8;
	[tilespmem:$0x18200] =	vst v63  }
0x255: {  	s15 =	simm.s32 $0xA00;
	v3 =	vadd.s32 v1, v3  }
0x256: {  	[tilespmem:s15], [sflag:$0x1] =	stream.indirect_vreg.gather [hbm4b:s8+s5], $0x80, v4, vm0, $0xb8;
	[tilespmem:$0x18200] =	vst v63  }
0x257: {  	s15 =	simm.s32 $0x1200  }
0x258: {  	[tilespmem:s15], [sflag:$0x1] =	stream.indirect_vreg.gather [hbm4b:s9+s5], $0x80, v4, vm0, $0xb8;
	[tilespmem:$0x18200] =	vst v63  }
0x259: {  	s15 =	simm.s32 $0x1A00  }
0x25a: {  	[tilespmem:s15], [sflag:$0x1] =	stream.indirect_vreg.gather [hbm4b:s1+s5], $0x80, v3, vm0, $0xb8;
	[tilespmem:$0x18200] =	vst v63  }
0x25b: {  	s15 =	simm.s32 $0x2200  }
0x25c: {  	[tilespmem:s15], [sflag:$0x1] =	stream.indirect_vreg.gather [hbm4b:s8+s5], $0x80, v3, vm0, $0xb8;
	[tilespmem:$0x18200] =	vst v63  }
0x25d: {  	s15 =	simm.s32 $0x2A00  }
0x25e: {  	[tilespmem:s15], [sflag:$0x1] =	stream.indirect_vreg.gather [hbm4b:s9+s5], $0x80, v3, vm0, $0xb8;
	[tilespmem:$0x18200] =	vst v63  }
0x25f: {  	v3 =	vld [tilespmem:$0x110];
	_ =	sdelay $0x4  }
0x260: {  	v41 =	vshrl.u32 v3, $0x3  }
0x261: {  	v4 =	vmul.u32 $0x30, v41  }
0x262: {  	v3 =	vand.u32 $0x7, v3  }
0x263: {  	v3 =	vor.u32 v3, v4  }
0x264: {  	v4 =	vperm.xlane v3, v0;
	_ =	sdelay $0x1  }
0x265: {  	v4 =	vadd.s32 v1, v4;
	_ =	sdelay $0x3  }
0x266: {  	s15 =	simm.s32 $0x3200;
	v3 =	vperm.xlane v3, v2  }
0x267: {  	[tilespmem:s15], [sflag:$0x1] =	stream.indirect_vreg.gather [hbm4b:s1+s5], $0x80, v4, vm0, $0xb8;
	[tilespmem:$0x18200] =	vst v63  }
0x268: {  	v3 =	vadd.s32 v1, v3;
	s15 =	simm.s32 $0x3A00  }
0x269: {  	[tilespmem:s15], [sflag:$0x1] =	stream.indirect_vreg.gather [hbm4b:s8+s5], $0x80, v4, vm0, $0xb8;
	[tilespmem:$0x18200] =	vst v63  }
0x26a: {  	s15 =	simm.s32 $0x4200  }
0x26b: {  	[tilespmem:s15], [sflag:$0x1] =	stream.indirect_vreg.gather [hbm4b:s9+s5], $0x80, v4, vm0, $0xb8;
	[tilespmem:$0x18200] =	vst v63  }
0x26c: {  	s15 =	simm.s32 $0x4A00  }
0x26d: {  	[tilespmem:s15], [sflag:$0x1] =	stream.indirect_vreg.gather [hbm4b:s1+s5], $0x80, v3, vm0, $0xb8;
	[tilespmem:$0x18200] =	vst v63  }
0x26e: {  	s15 =	simm.s32 $0x5200  }
0x26f: {  	[tilespmem:s15], [sflag:$0x1] =	stream.indirect_vreg.gather [hbm4b:s8+s5], $0x80, v3, vm0, $0xb8;
	[tilespmem:$0x18200] =	vst v63  }
0x270: {  	s15 =	simm.s32 $0x5A00  }
0x271: {  	[tilespmem:s15], [sflag:$0x1] =	stream.indirect_vreg.gather [hbm4b:s9+s5], $0x80, v3, vm0, $0xb8;
	[tilespmem:$0x18200] =	vst v63  }
0x272: {  	v3 =	vld [tilespmem:$0x120];
	_ =	sdelay $0x4  }
0x273: {  	v42 =	vshrl.u32 v3, $0x3  }
0x274: {  	v4 =	vmul.u32 $0x30, v42  }
0x275: {  	v3 =	vand.u32 $0x7, v3  }
0x276: {  	v3 =	vor.u32 v3, v4  }
0x277: {  	v4 =	vperm.xlane v3, v0;
	_ =	sdelay $0x1  }
0x278: {  	v4 =	vadd.s32 v1, v4;
	_ =	sdelay $0x3  }
0x279: {  	s15 =	simm.s32 $0x6200;
	v3 =	vperm.xlane v3, v2  }
0x27a: {  	[tilespmem:s15], [sflag:$0x1] =	stream.indirect_vreg.gather [hbm4b:s1+s5], $0x80, v4, vm0, $0xb8;
	[tilespmem:$0x18200] =	vst v63  }
0x27b: {  	v3 =	vadd.s32 v1, v3;
	s15 =	simm.s32 $0x6A00  }
0x27c: {  	[tilespmem:s15], [sflag:$0x1] =	stream.indirect_vreg.gather [hbm4b:s8+s5], $0x80, v4, vm0, $0xb8;
	[tilespmem:$0x18200] =	vst v63  }
0x27d: {  	s15 =	simm.s32 $0x7200  }
0x27e: {  	[tilespmem:s15], [sflag:$0x1] =	stream.indirect_vreg.gather [hbm4b:s9+s5], $0x80, v4, vm0, $0xb8;
	[tilespmem:$0x18200] =	vst v63  }
0x27f: {  	s15 =	simm.s32 $0x7A00  }
0x280: {  	[tilespmem:s15], [sflag:$0x1] =	stream.indirect_vreg.gather [hbm4b:s1+s5], $0x80, v3, vm0, $0xb8;
	[tilespmem:$0x18200] =	vst v63  }
0x281: {  	s15 =	simm.s32 $0x8200  }
0x282: {  	[tilespmem:s15], [sflag:$0x1] =	stream.indirect_vreg.gather [hbm4b:s8+s5], $0x80, v3, vm0, $0xb8;
	[tilespmem:$0x18200] =	vst v63  }
0x283: {  	s15 =	simm.s32 $0x8A00  }
0x284: {  	[tilespmem:s15], [sflag:$0x1] =	stream.indirect_vreg.gather [hbm4b:s9+s5], $0x80, v3, vm0, $0xb8;
	[tilespmem:$0x18200] =	vst v63  }
0x285: {  	v3 =	vld [tilespmem:$0x130];
	_ =	sdelay $0x4  }
0x286: {  	v43 =	vshrl.u32 v3, $0x3  }
0x287: {  	v4 =	vmul.u32 $0x30, v43  }
0x288: {  	v3 =	vand.u32 $0x7, v3  }
0x289: {  	v3 =	vor.u32 v3, v4  }
0x28a: {  	v4 =	vperm.xlane v3, v0;
	_ =	sdelay $0x1  }
0x28b: {  	v4 =	vadd.s32 v1, v4;
	_ =	sdelay $0x3  }
0x28c: {  	s15 =	simm.s32 $0x9200;
	v3 =	vperm.xlane v3, v2  }
0x28d: {  	[tilespmem:s15], [sflag:$0x1] =	stream.indirect_vreg.gather [hbm4b:s1+s5], $0x80, v4, vm0, $0xb8;
	[tilespmem:$0x18200] =	vst v63  }
0x28e: {  	v3 =	vadd.s32 v1, v3;
	s15 =	simm.s32 $0x9A00  }
0x28f: {  	[tilespmem:s15], [sflag:$0x1] =	stream.indirect_vreg.gather [hbm4b:s8+s5], $0x80, v4, vm0, $0xb8;
	[tilespmem:$0x18200] =	vst v63  }
0x290: {  	s15 =	simm.s32 $0xA200  }
0x291: {  	[tilespmem:s15], [sflag:$0x1] =	stream.indirect_vreg.gather [hbm4b:s9+s5], $0x80, v4, vm0, $0xb8;
	[tilespmem:$0x18200] =	vst v63  }
0x292: {  	s15 =	simm.s32 $0xAA00  }
0x293: {  	[tilespmem:s15], [sflag:$0x1] =	stream.indirect_vreg.gather [hbm4b:s1+s5], $0x80, v3, vm0, $0xb8;
	[tilespmem:$0x18200] =	vst v63  }
0x294: {  	s15 =	simm.s32 $0xB200  }
0x295: {  	[tilespmem:s15], [sflag:$0x1] =	stream.indirect_vreg.gather [hbm4b:s8+s5], $0x80, v3, vm0, $0xb8;
	[tilespmem:$0x18200] =	vst v63  }
0x296: {  	s15 =	simm.s32 $0xBA00  }
0x297: {  	[tilespmem:s15], [sflag:$0x1] =	stream.indirect_vreg.gather [hbm4b:s9+s5], $0x80, v3, vm0, $0xb8;
	[tilespmem:$0x18200] =	vst v63  }
0x298: {  	_ =	swait.ge [sflag:s20], $0xC000  }
0x299: {  	[sflag:s20] =	ssyncset.done $0x0  }
0x29a: {  	s4 =	rddreg [dreg:$0x1b];
	[sflag:s20] =	ssyncadd.s32 $0xFFFF4000  }
0x29b: {  	[hbm4b:s4+s5] =	stream.linear.scatter [tilespmem:s14], [sflag:$0x3], $0xC000, $0x38;
	[tilespmem:$0x18200] =	vst v63  }
0x29c: {  	s15 =	rddreg [dreg:$0x1c]  }
0x29d: {  	[hbm4b:s15+s5] =	stream.linear.scatter [tilespmem:s14], [sflag:$0x3], $0xC000, $0x38;
	[tilespmem:$0x18200] =	vst v63  }
0x29e: {  	_ =	swait.ge [sflag:s3], $0xC000  }
0x29f: {  	[sflag:s3] =	ssyncset.done $0x0  }
0x2a0: {  	[sflag:s3] =	ssyncadd.s32 $0xFFFF4000  }
0x2a1: {  	_ =	swait.ge [sflag:s3], $0xC000  }
0x2a2: {  	[sflag:s3] =	ssyncset.done $0x0  }
0x2a3: {  	[sflag:s3] =	ssyncadd.s32 $0xFFFF4000  }
0x2a4: {  	v3 =	vld [tilespmem:$0x180];
	_ =	sdelay $0x4  }
0x2a5: {  	v44 =	vshrl.u32 v3, $0x3  }
0x2a6: {  	v4 =	vmul.u32 $0x30, v44  }
0x2a7: {  	v3 =	vand.u32 $0x7, v3  }
0x2a8: {  	v3 =	vor.u32 v3, v4  }
0x2a9: {  	v4 =	vperm.xlane v3, v0;
	_ =	sdelay $0x1  }
0x2aa: {  	v4 =	vadd.s32 v1, v4;
	_ =	sdelay $0x3  }
0x2ab: {  	v3 =	vperm.xlane v3, v2  }
0x2ac: {  	[tilespmem:s21], [sflag:$0x2] =	stream.indirect_vreg.gather [hbm4b:s1+s5], $0x80, v4, vm0, $0xb8;
	[tilespmem:$0x18200] =	vst v63  }
0x2ad: {  	s15 =	simm.s32 $0xCA00;
	v3 =	vadd.s32 v1, v3  }
0x2ae: {  	[tilespmem:s15], [sflag:$0x2] =	stream.indirect_vreg.gather [hbm4b:s8+s5], $0x80, v4, vm0, $0xb8;
	[tilespmem:$0x18200] =	vst v63  }
0x2af: {  	s25 =	simm.s32 $0xD200  }
0x2b0: {  	[tilespmem:s25], [sflag:$0x2] =	stream.indirect_vreg.gather [hbm4b:s9+s5], $0x80, v4, vm0, $0xb8;
	[tilespmem:$0x18200] =	vst v63  }
0x2b1: {  	s17 =	simm.s32 $0xDA00  }
0x2b2: {  	[tilespmem:s17], [sflag:$0x2] =	stream.indirect_vreg.gather [hbm4b:s1+s5], $0x80, v3, vm0, $0xb8;
	[tilespmem:$0x18200] =	vst v63  }
0x2b3: {  	s18 =	simm.s32 $0xE200  }
0x2b4: {  	[tilespmem:s18], [sflag:$0x2] =	stream.indirect_vreg.gather [hbm4b:s8+s5], $0x80, v3, vm0, $0xb8;
	[tilespmem:$0x18200] =	vst v63  }
0x2b5: {  	s17 =	simm.s32 $0xEA00  }
0x2b6: {  	[tilespmem:s17], [sflag:$0x2] =	stream.indirect_vreg.gather [hbm4b:s9+s5], $0x80, v3, vm0, $0xb8;
	[tilespmem:$0x18200] =	vst v63  }
0x2b7: {  	v3 =	vld [tilespmem:$0x190];
	_ =	sdelay $0x4  }
0x2b8: {  	v45 =	vshrl.u32 v3, $0x3  }
0x2b9: {  	v4 =	vmul.u32 $0x30, v45  }
0x2ba: {  	v3 =	vand.u32 $0x7, v3  }
0x2bb: {  	v3 =	vor.u32 v3, v4  }
0x2bc: {  	v4 =	vperm.xlane v3, v0;
	_ =	sdelay $0x1  }
0x2bd: {  	v4 =	vadd.s32 v1, v4;
	_ =	sdelay $0x3  }
0x2be: {  	s18 =	simm.s32 $0xF200;
	v3 =	vperm.xlane v3, v2  }
0x2bf: {  	[tilespmem:s18], [sflag:$0x2] =	stream.indirect_vreg.gather [hbm4b:s1+s5], $0x80, v4, vm0, $0xb8;
	[tilespmem:$0x18200] =	vst v63  }
0x2c0: {  	s19 =	simm.s32 $0xFA00;
	v3 =	vadd.s32 v1, v3  }
0x2c1: {  	[tilespmem:s19], [sflag:$0x2] =	stream.indirect_vreg.gather [hbm4b:s8+s5], $0x80, v4, vm0, $0xb8;
	[tilespmem:$0x18200] =	vst v63  }
0x2c2: {  	s22 =	simm.s32 $0x10200  }
0x2c3: {  	[tilespmem:s22], [sflag:$0x2] =	stream.indirect_vreg.gather [hbm4b:s9+s5], $0x80, v4, vm0, $0xb8;
	[tilespmem:$0x18200] =	vst v63  }
0x2c4: {  	s23 =	simm.s32 $0x10A00  }
0x2c5: {  	[tilespmem:s23], [sflag:$0x2] =	stream.indirect_vreg.gather [hbm4b:s1+s5], $0x80, v3, vm0, $0xb8;
	[tilespmem:$0x18200] =	vst v63  }
0x2c6: {  	s24 =	simm.s32 $0x11200  }
0x2c7: {  	[tilespmem:s24], [sflag:$0x2] =	stream.indirect_vreg.gather [hbm4b:s8+s5], $0x80, v3, vm0, $0xb8;
	[tilespmem:$0x18200] =	vst v63  }
0x2c8: {  	s23 =	simm.s32 $0x11A00  }
0x2c9: {  	[tilespmem:s23], [sflag:$0x2] =	stream.indirect_vreg.gather [hbm4b:s9+s5], $0x80, v3, vm0, $0xb8;
	[tilespmem:$0x18200] =	vst v63  }
0x2ca: {  	v3 =	vld [tilespmem:$0x1A0];
	_ =	sdelay $0x4  }
0x2cb: {  	v46 =	vshrl.u32 v3, $0x3  }
0x2cc: {  	v4 =	vmul.u32 $0x30, v46  }
0x2cd: {  	v3 =	vand.u32 $0x7, v3  }
0x2ce: {  	v3 =	vor.u32 v3, v4  }
0x2cf: {  	v4 =	vperm.xlane v3, v0;
	_ =	sdelay $0x1  }
0x2d0: {  	v4 =	vadd.s32 v1, v4;
	_ =	sdelay $0x3  }
0x2d1: {  	s24 =	simm.s32 $0x12200;
	v3 =	vperm.xlane v3, v2  }
0x2d2: {  	[tilespmem:s24], [sflag:$0x2] =	stream.indirect_vreg.gather [hbm4b:s1+s5], $0x80, v4, vm0, $0xb8;
	[tilespmem:$0x18200] =	vst v63  }
0x2d3: {  	s26 =	simm.s32 $0x12A00;
	v3 =	vadd.s32 v1, v3  }
0x2d4: {  	[tilespmem:s26], [sflag:$0x2] =	stream.indirect_vreg.gather [hbm4b:s8+s5], $0x80, v4, vm0, $0xb8;
	[tilespmem:$0x18200] =	vst v63  }
0x2d5: {  	s28 =	simm.s32 $0x13200  }
0x2d6: {  	[tilespmem:s28], [sflag:$0x2] =	stream.indirect_vreg.gather [hbm4b:s9+s5], $0x80, v4, vm0, $0xb8;
	[tilespmem:$0x18200] =	vst v63  }
0x2d7: {  	s29 =	simm.s32 $0x13A00  }
0x2d8: {  	[tilespmem:s29], [sflag:$0x2] =	stream.indirect_vreg.gather [hbm4b:s1+s5], $0x80, v3, vm0, $0xb8;
	[tilespmem:$0x18200] =	vst v63  }
0x2d9: {  	s16 =	simm.s32 $0x14200  }
0x2da: {  	[tilespmem:s16], [sflag:$0x2] =	stream.indirect_vreg.gather [hbm4b:s8+s5], $0x80, v3, vm0, $0xb8;
	[tilespmem:$0x18200] =	vst v63  }
0x2db: {  	s28 =	simm.s32 $0x14A00  }
0x2dc: {  	[tilespmem:s28], [sflag:$0x2] =	stream.indirect_vreg.gather [hbm4b:s9+s5], $0x80, v3, vm0, $0xb8;
	[tilespmem:$0x18200] =	vst v63  }
0x2dd: {  	v3 =	vld [tilespmem:$0x1B0];
	_ =	sdelay $0x4  }
0x2de: {  	v47 =	vshrl.u32 v3, $0x3  }
0x2df: {  	v4 =	vmul.u32 $0x30, v47  }
0x2e0: {  	v3 =	vand.u32 $0x7, v3  }
0x2e1: {  	v3 =	vor.u32 v3, v4  }
0x2e2: {  	v4 =	vperm.xlane v3, v0;
	_ =	sdelay $0x1  }
0x2e3: {  	v4 =	vadd.s32 v1, v4;
	_ =	sdelay $0x3  }
0x2e4: {  	s29 =	simm.s32 $0x15200;
	v3 =	vperm.xlane v3, v2  }
0x2e5: {  	[tilespmem:s29], [sflag:$0x2] =	stream.indirect_vreg.gather [hbm4b:s1+s5], $0x80, v4, vm0, $0xb8;
	[tilespmem:$0x18200] =	vst v63  }
0x2e6: {  	s15 =	simm.s32 $0x15A00;
	v3 =	vadd.s32 v1, v3  }
0x2e7: {  	[tilespmem:s15], [sflag:$0x2] =	stream.indirect_vreg.gather [hbm4b:s8+s5], $0x80, v4, vm0, $0xb8;
	[tilespmem:$0x18200] =	vst v63  }
0x2e8: {  	s16 =	simm.s32 $0x16200  }
0x2e9: {  	[tilespmem:s16], [sflag:$0x2] =	stream.indirect_vreg.gather [hbm4b:s9+s5], $0x80, v4, vm0, $0xb8;
	[tilespmem:$0x18200] =	vst v63  }
0x2ea: {  	s18 =	simm.s32 $0x16A00  }
0x2eb: {  	[tilespmem:s18], [sflag:$0x2] =	stream.indirect_vreg.gather [hbm4b:s1+s5], $0x80, v3, vm0, $0xb8;
	[tilespmem:$0x18200] =	vst v63  }
0x2ec: {  	s19 =	simm.s32 $0x17200  }
0x2ed: {  	[tilespmem:s19], [sflag:$0x2] =	stream.indirect_vreg.gather [hbm4b:s8+s5], $0x80, v3, vm0, $0xb8;
	[tilespmem:$0x18200] =	vst v63  }
0x2ee: {  	s22 =	simm.s32 $0x17A00  }
0x2ef: {  	[tilespmem:s22], [sflag:$0x2] =	stream.indirect_vreg.gather [hbm4b:s9+s5], $0x80, v3, vm0, $0xb8;
	[tilespmem:$0x18200] =	vst v63  }
0x2f0: {  	_ =	swait.ge [sflag:s30], $0xC000  }
0x2f1: {  	[sflag:s30] =	ssyncset.done $0x0  }
0x2f2: {  	s23 =	rddreg [dreg:$0x1d];
	[sflag:s30] =	ssyncadd.s32 $0xFFFF4000  }
0x2f3: {  	[hbm4b:s23+s5] =	stream.linear.scatter [tilespmem:s21], [sflag:$0x4], $0xC000, $0x38;
	[tilespmem:$0x18200] =	vst v63  }
0x2f4: {  	s24 =	rddreg [dreg:$0x1e]  }
0x2f5: {  	[hbm4b:s24+s5] =	stream.linear.scatter [tilespmem:s21], [sflag:$0x4], $0xC000, $0x38;
	[tilespmem:$0x18200] =	vst v63  }
0x2f6: {  	_ =	swait.ge [sflag:s31], $0xC000  }
0x2f7: {  	[sflag:s31] =	ssyncset.done $0x0  }
0x2f8: {  	[sflag:s31] =	ssyncadd.s32 $0xFFFF4000  }
0x2f9: {  	_ =	swait.ge [sflag:s31], $0xC000  }
0x2fa: {  	[sflag:s31] =	ssyncset.done $0x0  }
0x2fb: {  	[sflag:s31] =	ssyncadd.s32 $0xFFFF4000  }
0x2fc: {  	v3 =	vld [tilespmem:$0x0];
	_ =	sdelay $0x4  }
0x2fd: {  	v48 =	vshrl.u32 v3, $0x3  }
0x2fe: {  	v4 =	vmul.u32 $0x30, v48  }
0x2ff: {  	v3 =	vand.u32 $0x7, v3  }
0x300: {  	v3 =	vor.u32 v3, v4  }
0x301: {  	v4 =	vperm.xlane v3, v0;
	_ =	sdelay $0x1  }
0x302: {  	v4 =	vadd.s32 v1, v4;
	_ =	sdelay $0x3  }
0x303: {  	v3 =	vperm.xlane v3, v2  }
0x304: {  	[tilespmem:s14], [sflag:$0x1] =	stream.indirect_vreg.gather [hbm4b:s2+s5], $0x80, v4, vm0, $0xb8;
	[tilespmem:$0x18200] =	vst v63  }
0x305: {  	s26 =	simm.s32 $0xA00;
	v3 =	vadd.s32 v1, v3  }
0x306: {  	[tilespmem:s26], [sflag:$0x1] =	stream.indirect_vreg.gather [hbm4b:s10+s5], $0x80, v4, vm0, $0xb8;
	[tilespmem:$0x18200] =	vst v63  }
0x307: {  	s28 =	simm.s32 $0x1200  }
0x308: {  	[tilespmem:s28], [sflag:$0x1] =	stream.indirect_vreg.gather [hbm4b:s11+s5], $0x80, v4, vm0, $0xb8;
	[tilespmem:$0x18200] =	vst v63  }
0x309: {  	s29 =	simm.s32 $0x1A00  }
0x30a: {  	[tilespmem:s29], [sflag:$0x1] =	stream.indirect_vreg.gather [hbm4b:s2+s5], $0x80, v3, vm0, $0xb8;
	[tilespmem:$0x18200] =	vst v63  }
0x30b: {  	s15 =	simm.s32 $0x2200  }
0x30c: {  	[tilespmem:s15], [sflag:$0x1] =	stream.indirect_vreg.gather [hbm4b:s10+s5], $0x80, v3, vm0, $0xb8;
	[tilespmem:$0x18200] =	vst v63  }
0x30d: {  	s16 =	simm.s32 $0x2A00  }
0x30e: {  	[tilespmem:s16], [sflag:$0x1] =	stream.indirect_vreg.gather [hbm4b:s11+s5], $0x80, v3, vm0, $0xb8;
	[tilespmem:$0x18200] =	vst v63  }
0x30f: {  	v3 =	vld [tilespmem:$0x10];
	_ =	sdelay $0x4  }
0x310: {  	v49 =	vshrl.u32 v3, $0x3  }
0x311: {  	v4 =	vmul.u32 $0x30, v49  }
0x312: {  	v3 =	vand.u32 $0x7, v3  }
0x313: {  	v3 =	vor.u32 v3, v4  }
0x314: {  	v4 =	vperm.xlane v3, v0;
	_ =	sdelay $0x1  }
0x315: {  	v4 =	vadd.s32 v1, v4;
	_ =	sdelay $0x3  }
0x316: {  	s18 =	simm.s32 $0x3200;
	v3 =	vperm.xlane v3, v2  }
0x317: {  	[tilespmem:s18], [sflag:$0x1] =	stream.indirect_vreg.gather [hbm4b:s2+s5], $0x80, v4, vm0, $0xb8;
	[tilespmem:$0x18200] =	vst v63  }
0x318: {  	s19 =	simm.s32 $0x3A00;
	v3 =	vadd.s32 v1, v3  }
0x319: {  	[tilespmem:s19], [sflag:$0x1] =	stream.indirect_vreg.gather [hbm4b:s10+s5], $0x80, v4, vm0, $0xb8;
	[tilespmem:$0x18200] =	vst v63  }
0x31a: {  	s22 =	simm.s32 $0x4200  }
0x31b: {  	[tilespmem:s22], [sflag:$0x1] =	stream.indirect_vreg.gather [hbm4b:s11+s5], $0x80, v4, vm0, $0xb8;
	[tilespmem:$0x18200] =	vst v63  }
0x31c: {  	s23 =	simm.s32 $0x4A00  }
0x31d: {  	[tilespmem:s23], [sflag:$0x1] =	stream.indirect_vreg.gather [hbm4b:s2+s5], $0x80, v3, vm0, $0xb8;
	[tilespmem:$0x18200] =	vst v63  }
0x31e: {  	s24 =	simm.s32 $0x5200  }
0x31f: {  	[tilespmem:s24], [sflag:$0x1] =	stream.indirect_vreg.gather [hbm4b:s10+s5], $0x80, v3, vm0, $0xb8;
	[tilespmem:$0x18200] =	vst v63  }
0x320: {  	s26 =	simm.s32 $0x5A00  }
0x321: {  	[tilespmem:s26], [sflag:$0x1] =	stream.indirect_vreg.gather [hbm4b:s11+s5], $0x80, v3, vm0, $0xb8;
	[tilespmem:$0x18200] =	vst v63  }
0x322: {  	v3 =	vld [tilespmem:$0x20];
	_ =	sdelay $0x4  }
0x323: {  	v50 =	vshrl.u32 v3, $0x3  }
0x324: {  	v4 =	vmul.u32 $0x30, v50  }
0x325: {  	v3 =	vand.u32 $0x7, v3  }
0x326: {  	v3 =	vor.u32 v3, v4  }
0x327: {  	v4 =	vperm.xlane v3, v0;
	_ =	sdelay $0x1  }
0x328: {  	v4 =	vadd.s32 v1, v4;
	_ =	sdelay $0x3  }
0x329: {  	s28 =	simm.s32 $0x6200;
	v3 =	vperm.xlane v3, v2  }
0x32a: {  	[tilespmem:s28], [sflag:$0x1] =	stream.indirect_vreg.gather [hbm4b:s2+s5], $0x80, v4, vm0, $0xb8;
	[tilespmem:$0x18200] =	vst v63  }
0x32b: {  	s29 =	simm.s32 $0x6A00;
	v3 =	vadd.s32 v1, v3  }
0x32c: {  	[tilespmem:s29], [sflag:$0x1] =	stream.indirect_vreg.gather [hbm4b:s10+s5], $0x80, v4, vm0, $0xb8;
	[tilespmem:$0x18200] =	vst v63  }
0x32d: {  	s15 =	simm.s32 $0x7200  }
0x32e: {  	[tilespmem:s15], [sflag:$0x1] =	stream.indirect_vreg.gather [hbm4b:s11+s5], $0x80, v4, vm0, $0xb8;
	[tilespmem:$0x18200] =	vst v63  }
0x32f: {  	s16 =	simm.s32 $0x7A00  }
0x330: {  	[tilespmem:s16], [sflag:$0x1] =	stream.indirect_vreg.gather [hbm4b:s2+s5], $0x80, v3, vm0, $0xb8;
	[tilespmem:$0x18200] =	vst v63  }
0x331: {  	s18 =	simm.s32 $0x8200  }
0x332: {  	[tilespmem:s18], [sflag:$0x1] =	stream.indirect_vreg.gather [hbm4b:s10+s5], $0x80, v3, vm0, $0xb8;
	[tilespmem:$0x18200] =	vst v63  }
0x333: {  	s19 =	simm.s32 $0x8A00  }
0x334: {  	[tilespmem:s19], [sflag:$0x1] =	stream.indirect_vreg.gather [hbm4b:s11+s5], $0x80, v3, vm0, $0xb8;
	[tilespmem:$0x18200] =	vst v63  }
0x335: {  	v3 =	vld [tilespmem:$0x30];
	_ =	sdelay $0x4  }
0x336: {  	v51 =	vshrl.u32 v3, $0x3  }
0x337: {  	v4 =	vmul.u32 $0x30, v51  }
0x338: {  	v3 =	vand.u32 $0x7, v3  }
0x339: {  	v3 =	vor.u32 v3, v4  }
0x33a: {  	v4 =	vperm.xlane v3, v0;
	_ =	sdelay $0x1  }
0x33b: {  	v4 =	vadd.s32 v1, v4;
	_ =	sdelay $0x3  }
0x33c: {  	s22 =	simm.s32 $0x9200;
	v3 =	vperm.xlane v3, v2  }
0x33d: {  	[tilespmem:s22], [sflag:$0x1] =	stream.indirect_vreg.gather [hbm4b:s2+s5], $0x80, v4, vm0, $0xb8;
	[tilespmem:$0x18200] =	vst v63  }
0x33e: {  	s23 =	simm.s32 $0x9A00;
	v3 =	vadd.s32 v1, v3  }
0x33f: {  	[tilespmem:s23], [sflag:$0x1] =	stream.indirect_vreg.gather [hbm4b:s10+s5], $0x80, v4, vm0, $0xb8;
	[tilespmem:$0x18200] =	vst v63  }
0x340: {  	s24 =	simm.s32 $0xA200  }
0x341: {  	[tilespmem:s24], [sflag:$0x1] =	stream.indirect_vreg.gather [hbm4b:s11+s5], $0x80, v4, vm0, $0xb8;
	[tilespmem:$0x18200] =	vst v63  }
0x342: {  	s26 =	simm.s32 $0xAA00  }
0x343: {  	[tilespmem:s26], [sflag:$0x1] =	stream.indirect_vreg.gather [hbm4b:s2+s5], $0x80, v3, vm0, $0xb8;
	[tilespmem:$0x18200] =	vst v63  }
0x344: {  	s28 =	simm.s32 $0xB200  }
0x345: {  	[tilespmem:s28], [sflag:$0x1] =	stream.indirect_vreg.gather [hbm4b:s10+s5], $0x80, v3, vm0, $0xb8;
	[tilespmem:$0x18200] =	vst v63  }
0x346: {  	s29 =	simm.s32 $0xBA00  }
0x347: {  	[tilespmem:s29], [sflag:$0x1] =	stream.indirect_vreg.gather [hbm4b:s11+s5], $0x80, v3, vm0, $0xb8;
	[tilespmem:$0x18200] =	vst v63  }
0x348: {  	_ =	swait.ge [sflag:s20], $0xC000  }
0x349: {  	s15 =	rddreg [dreg:$0x1f];
	[sflag:s20] =	ssyncset.done $0x0  }
0x34a: {  	s16 =	sld [smem:$0x7F4];
	[sflag:s20] =	ssyncadd.s32 $0xFFFF4000  }
0x34b: {  	[hbm4b:s15+s5] =	stream.linear.scatter [tilespmem:s14], [sflag:$0x3], $0xC000, $0x38;
	[tilespmem:$0x18200] =	vst v63  }
0x34c: {  	_ = 	snop  }
0x34d: {  	[hbm4b:s16+s5] =	stream.linear.scatter [tilespmem:s14], [sflag:$0x3], $0xC000, $0x38;
	[tilespmem:$0x18200] =	vst v63  }
0x34e: {  	_ =	swait.ge [sflag:s3], $0xC000  }
0x34f: {  	[sflag:s3] =	ssyncset.done $0x0  }
0x350: {  	[sflag:s3] =	ssyncadd.s32 $0xFFFF4000  }
0x351: {  	_ =	swait.ge [sflag:s3], $0xC000  }
0x352: {  	[sflag:s3] =	ssyncset.done $0x0  }
0x353: {  	[sflag:s3] =	ssyncadd.s32 $0xFFFF4000  }
0x354: {  	v3 =	vld [tilespmem:$0x80];
	_ =	sdelay $0x4  }
0x355: {  	v52 =	vshrl.u32 v3, $0x3  }
0x356: {  	v4 =	vmul.u32 $0x30, v52  }
0x357: {  	v3 =	vand.u32 $0x7, v3  }
0x358: {  	v3 =	vor.u32 v3, v4  }
0x359: {  	v4 =	vperm.xlane v3, v0;
	_ =	sdelay $0x1  }
0x35a: {  	v4 =	vadd.s32 v1, v4;
	_ =	sdelay $0x3  }
0x35b: {  	v3 =	vperm.xlane v3, v2  }
0x35c: {  	[tilespmem:s21], [sflag:$0x2] =	stream.indirect_vreg.gather [hbm4b:s2+s5], $0x80, v4, vm0, $0xb8;
	[tilespmem:$0x18200] =	vst v63  }
0x35d: {  	s18 =	simm.s32 $0xCA00;
	v3 =	vadd.s32 v1, v3  }
0x35e: {  	[tilespmem:s18], [sflag:$0x2] =	stream.indirect_vreg.gather [hbm4b:s10+s5], $0x80, v4, vm0, $0xb8;
	[tilespmem:$0x18200] =	vst v63  }
0x35f: {  	s25 =	simm.s32 $0xD200  }
0x360: {  	[tilespmem:s25], [sflag:$0x2] =	stream.indirect_vreg.gather [hbm4b:s11+s5], $0x80, v4, vm0, $0xb8;
	[tilespmem:$0x18200] =	vst v63  }
0x361: {  	s19 =	simm.s32 $0xDA00  }
0x362: {  	[tilespmem:s19], [sflag:$0x2] =	stream.indirect_vreg.gather [hbm4b:s2+s5], $0x80, v3, vm0, $0xb8;
	[tilespmem:$0x18200] =	vst v63  }
0x363: {  	s22 =	simm.s32 $0xE200  }
0x364: {  	[tilespmem:s22], [sflag:$0x2] =	stream.indirect_vreg.gather [hbm4b:s10+s5], $0x80, v3, vm0, $0xb8;
	[tilespmem:$0x18200] =	vst v63  }
0x365: {  	s23 =	simm.s32 $0xEA00  }
0x366: {  	[tilespmem:s23], [sflag:$0x2] =	stream.indirect_vreg.gather [hbm4b:s11+s5], $0x80, v3, vm0, $0xb8;
	[tilespmem:$0x18200] =	vst v63  }
0x367: {  	v3 =	vld [tilespmem:$0x90];
	_ =	sdelay $0x4  }
0x368: {  	v53 =	vshrl.u32 v3, $0x3  }
0x369: {  	v4 =	vmul.u32 $0x30, v53  }
0x36a: {  	v3 =	vand.u32 $0x7, v3  }
0x36b: {  	v3 =	vor.u32 v3, v4  }
0x36c: {  	v4 =	vperm.xlane v3, v0;
	_ =	sdelay $0x1  }
0x36d: {  	v4 =	vadd.s32 v1, v4;
	_ =	sdelay $0x3  }
0x36e: {  	s24 =	simm.s32 $0xF200;
	v3 =	vperm.xlane v3, v2  }
0x36f: {  	[tilespmem:s24], [sflag:$0x2] =	stream.indirect_vreg.gather [hbm4b:s2+s5], $0x80, v4, vm0, $0xb8;
	[tilespmem:$0x18200] =	vst v63  }
0x370: {  	s25 =	simm.s32 $0xFA00;
	v3 =	vadd.s32 v1, v3  }
0x371: {  	[tilespmem:s25], [sflag:$0x2] =	stream.indirect_vreg.gather [hbm4b:s10+s5], $0x80, v4, vm0, $0xb8;
	[tilespmem:$0x18200] =	vst v63  }
0x372: {  	s26 =	simm.s32 $0x10200  }
0x373: {  	[tilespmem:s26], [sflag:$0x2] =	stream.indirect_vreg.gather [hbm4b:s11+s5], $0x80, v4, vm0, $0xb8;
	[tilespmem:$0x18200] =	vst v63  }
0x374: {  	s29 =	simm.s32 $0x10A00  }
0x375: {  	[tilespmem:s29], [sflag:$0x2] =	stream.indirect_vreg.gather [hbm4b:s2+s5], $0x80, v3, vm0, $0xb8;
	[tilespmem:$0x18200] =	vst v63  }
0x376: {  	s15 =	simm.s32 $0x11200  }
0x377: {  	[tilespmem:s15], [sflag:$0x2] =	stream.indirect_vreg.gather [hbm4b:s10+s5], $0x80, v3, vm0, $0xb8;
	[tilespmem:$0x18200] =	vst v63  }
0x378: {  	s25 =	simm.s32 $0x11A00  }
0x379: {  	[tilespmem:s25], [sflag:$0x2] =	stream.indirect_vreg.gather [hbm4b:s11+s5], $0x80, v3, vm0, $0xb8;
	[tilespmem:$0x18200] =	vst v63  }
0x37a: {  	v3 =	vld [tilespmem:$0xA0];
	_ =	sdelay $0x4  }
0x37b: {  	v54 =	vshrl.u32 v3, $0x3  }
0x37c: {  	v4 =	vmul.u32 $0x30, v54  }
0x37d: {  	v3 =	vand.u32 $0x7, v3  }
0x37e: {  	v3 =	vor.u32 v3, v4  }
0x37f: {  	v4 =	vperm.xlane v3, v0;
	_ =	sdelay $0x1  }
0x380: {  	v4 =	vadd.s32 v1, v4;
	_ =	sdelay $0x3  }
0x381: {  	s29 =	simm.s32 $0x12200;
	v3 =	vperm.xlane v3, v2  }
0x382: {  	[tilespmem:s29], [sflag:$0x2] =	stream.indirect_vreg.gather [hbm4b:s2+s5], $0x80, v4, vm0, $0xb8;
	[tilespmem:$0x18200] =	vst v63  }
0x383: {  	s15 =	simm.s32 $0x12A00;
	v3 =	vadd.s32 v1, v3  }
0x384: {  	[tilespmem:s15], [sflag:$0x2] =	stream.indirect_vreg.gather [hbm4b:s10+s5], $0x80, v4, vm0, $0xb8;
	[tilespmem:$0x18200] =	vst v63  }
0x385: {  	s25 =	simm.s32 $0x13200  }
0x386: {  	[tilespmem:s25], [sflag:$0x2] =	stream.indirect_vreg.gather [hbm4b:s11+s5], $0x80, v4, vm0, $0xb8;
	[tilespmem:$0x18200] =	vst v63  }
0x387: {  	s15 =	simm.s32 $0x13A00  }
0x388: {  	[tilespmem:s15], [sflag:$0x2] =	stream.indirect_vreg.gather [hbm4b:s2+s5], $0x80, v3, vm0, $0xb8;
	[tilespmem:$0x18200] =	vst v63  }
0x389: {  	s17 =	simm.s32 $0x14200  }
0x38a: {  	[tilespmem:s17], [sflag:$0x2] =	stream.indirect_vreg.gather [hbm4b:s10+s5], $0x80, v3, vm0, $0xb8;
	[tilespmem:$0x18200] =	vst v63  }
0x38b: {  	s17 =	simm.s32 $0x14A00  }
0x38c: {  	[tilespmem:s17], [sflag:$0x2] =	stream.indirect_vreg.gather [hbm4b:s11+s5], $0x80, v3, vm0, $0xb8;
	[tilespmem:$0x18200] =	vst v63  }
0x38d: {  	v3 =	vld [tilespmem:$0xB0];
	_ =	sdelay $0x4  }
0x38e: {  	v55 =	vshrl.u32 v3, $0x3  }
0x38f: {  	v4 =	vmul.u32 $0x30, v55  }
0x390: {  	v3 =	vand.u32 $0x7, v3  }
0x391: {  	v3 =	vor.u32 v3, v4  }
0x392: {  	v4 =	vperm.xlane v3, v0;
	_ =	sdelay $0x1  }
0x393: {  	v4 =	vadd.s32 v1, v4;
	_ =	sdelay $0x3  }
0x394: {  	s15 =	simm.s32 $0x15200;
	v3 =	vperm.xlane v3, v2  }
0x395: {  	[tilespmem:s15], [sflag:$0x2] =	stream.indirect_vreg.gather [hbm4b:s2+s5], $0x80, v4, vm0, $0xb8;
	[tilespmem:$0x18200] =	vst v63  }
0x396: {  	s17 =	simm.s32 $0x15A00;
	v3 =	vadd.s32 v1, v3  }
0x397: {  	[tilespmem:s17], [sflag:$0x2] =	stream.indirect_vreg.gather [hbm4b:s10+s5], $0x80, v4, vm0, $0xb8;
	[tilespmem:$0x18200] =	vst v63  }
0x398: {  	s15 =	simm.s32 $0x16200  }
0x399: {  	[tilespmem:s15], [sflag:$0x2] =	stream.indirect_vreg.gather [hbm4b:s11+s5], $0x80, v4, vm0, $0xb8;
	[tilespmem:$0x18200] =	vst v63  }
0x39a: {  	s15 =	simm.s32 $0x16A00  }
0x39b: {  	[tilespmem:s15], [sflag:$0x2] =	stream.indirect_vreg.gather [hbm4b:s2+s5], $0x80, v3, vm0, $0xb8;
	[tilespmem:$0x18200] =	vst v63  }
0x39c: {  	s15 =	simm.s32 $0x17200  }
0x39d: {  	[tilespmem:s15], [sflag:$0x2] =	stream.indirect_vreg.gather [hbm4b:s10+s5], $0x80, v3, vm0, $0xb8;
	[tilespmem:$0x18200] =	vst v63  }
0x39e: {  	s15 =	simm.s32 $0x17A00  }
0x39f: {  	[tilespmem:s15], [sflag:$0x2] =	stream.indirect_vreg.gather [hbm4b:s11+s5], $0x80, v3, vm0, $0xb8;
	[tilespmem:$0x18200] =	vst v63  }
0x3a0: {  	_ =	swait.ge [sflag:s30], $0xC000  }
0x3a1: {  	s4 =	sld [smem:$0x7F5]  }
0x3a2: {  	[sflag:s30] =	ssyncset.done $0x0  }
0x3a3: {  	s15 =	sld [smem:$0x7F6];
	[sflag:s30] =	ssyncadd.s32 $0xFFFF4000  }
0x3a4: {  	[hbm4b:s4+s5] =	stream.linear.scatter [tilespmem:s21], [sflag:$0x4], $0xC000, $0x38;
	[tilespmem:$0x18200] =	vst v63  }
0x3a5: {  	_ = 	snop  }
0x3a6: {  	[hbm4b:s15+s5] =	stream.linear.scatter [tilespmem:s21], [sflag:$0x4], $0xC000, $0x38;
	[tilespmem:$0x18200] =	vst v63  }
0x3a7: {  	_ =	swait.ge [sflag:s31], $0xC000  }
0x3a8: {  	[sflag:s31] =	ssyncset.done $0x0  }
0x3a9: {  	[sflag:s31] =	ssyncadd.s32 $0xFFFF4000  }
0x3aa: {  	_ =	swait.ge [sflag:s31], $0xC000  }
0x3ab: {  	[sflag:s31] =	ssyncset.done $0x0  }
0x3ac: {  	[sflag:s31] =	ssyncadd.s32 $0xFFFF4000  }
0x3ad: {  	v3 =	vld [tilespmem:$0x100];
	_ =	sdelay $0x4  }
0x3ae: {  	v56 =	vshrl.u32 v3, $0x3  }
0x3af: {  	v4 =	vmul.u32 $0x30, v56  }
0x3b0: {  	v3 =	vand.u32 $0x7, v3  }
0x3b1: {  	v3 =	vor.u32 v3, v4  }
0x3b2: {  	v4 =	vperm.xlane v3, v0;
	_ =	sdelay $0x1  }
0x3b3: {  	v4 =	vadd.s32 v1, v4;
	_ =	sdelay $0x3  }
0x3b4: {  	v3 =	vperm.xlane v3, v2  }
0x3b5: {  	[tilespmem:s14], [sflag:$0x1] =	stream.indirect_vreg.gather [hbm4b:s2+s5], $0x80, v4, vm0, $0xb8;
	[tilespmem:$0x18200] =	vst v63  }
0x3b6: {  	s15 =	simm.s32 $0xA00;
	v3 =	vadd.s32 v1, v3  }
0x3b7: {  	[tilespmem:s15], [sflag:$0x1] =	stream.indirect_vreg.gather [hbm4b:s10+s5], $0x80, v4, vm0, $0xb8;
	[tilespmem:$0x18200] =	vst v63  }
0x3b8: {  	s15 =	simm.s32 $0x1200  }
0x3b9: {  	[tilespmem:s15], [sflag:$0x1] =	stream.indirect_vreg.gather [hbm4b:s11+s5], $0x80, v4, vm0, $0xb8;
	[tilespmem:$0x18200] =	vst v63  }
0x3ba: {  	s15 =	simm.s32 $0x1A00  }
0x3bb: {  	[tilespmem:s15], [sflag:$0x1] =	stream.indirect_vreg.gather [hbm4b:s2+s5], $0x80, v3, vm0, $0xb8;
	[tilespmem:$0x18200] =	vst v63  }
0x3bc: {  	s15 =	simm.s32 $0x2200  }
0x3bd: {  	[tilespmem:s15], [sflag:$0x1] =	stream.indirect_vreg.gather [hbm4b:s10+s5], $0x80, v3, vm0, $0xb8;
	[tilespmem:$0x18200] =	vst v63  }
0x3be: {  	s15 =	simm.s32 $0x2A00  }
0x3bf: {  	[tilespmem:s15], [sflag:$0x1] =	stream.indirect_vreg.gather [hbm4b:s11+s5], $0x80, v3, vm0, $0xb8;
	[tilespmem:$0x18200] =	vst v63  }
0x3c0: {  	v3 =	vld [tilespmem:$0x110];
	_ =	sdelay $0x4  }
0x3c1: {  	v57 =	vshrl.u32 v3, $0x3  }
0x3c2: {  	v4 =	vmul.u32 $0x30, v57  }
0x3c3: {  	v3 =	vand.u32 $0x7, v3  }
0x3c4: {  	v3 =	vor.u32 v3, v4  }
0x3c5: {  	v4 =	vperm.xlane v3, v0;
	_ =	sdelay $0x1  }
0x3c6: {  	v4 =	vadd.s32 v1, v4;
	_ =	sdelay $0x3  }
0x3c7: {  	s15 =	simm.s32 $0x3200;
	v3 =	vperm.xlane v3, v2  }
0x3c8: {  	[tilespmem:s15], [sflag:$0x1] =	stream.indirect_vreg.gather [hbm4b:s2+s5], $0x80, v4, vm0, $0xb8;
	[tilespmem:$0x18200] =	vst v63  }
0x3c9: {  	v3 =	vadd.s32 v1, v3;
	s15 =	simm.s32 $0x3A00  }
0x3ca: {  	[tilespmem:s15], [sflag:$0x1] =	stream.indirect_vreg.gather [hbm4b:s10+s5], $0x80, v4, vm0, $0xb8;
	[tilespmem:$0x18200] =	vst v63  }
0x3cb: {  	s15 =	simm.s32 $0x4200  }
0x3cc: {  	[tilespmem:s15], [sflag:$0x1] =	stream.indirect_vreg.gather [hbm4b:s11+s5], $0x80, v4, vm0, $0xb8;
	[tilespmem:$0x18200] =	vst v63  }
0x3cd: {  	s15 =	simm.s32 $0x4A00  }
0x3ce: {  	[tilespmem:s15], [sflag:$0x1] =	stream.indirect_vreg.gather [hbm4b:s2+s5], $0x80, v3, vm0, $0xb8;
	[tilespmem:$0x18200] =	vst v63  }
0x3cf: {  	s15 =	simm.s32 $0x5200  }
0x3d0: {  	[tilespmem:s15], [sflag:$0x1] =	stream.indirect_vreg.gather [hbm4b:s10+s5], $0x80, v3, vm0, $0xb8;
	[tilespmem:$0x18200] =	vst v63  }
0x3d1: {  	s15 =	simm.s32 $0x5A00  }
0x3d2: {  	[tilespmem:s15], [sflag:$0x1] =	stream.indirect_vreg.gather [hbm4b:s11+s5], $0x80, v3, vm0, $0xb8;
	[tilespmem:$0x18200] =	vst v63  }
0x3d3: {  	v3 =	vld [tilespmem:$0x120];
	_ =	sdelay $0x4  }
0x3d4: {  	v58 =	vshrl.u32 v3, $0x3  }
0x3d5: {  	v4 =	vmul.u32 $0x30, v58  }
0x3d6: {  	v3 =	vand.u32 $0x7, v3  }
0x3d7: {  	v3 =	vor.u32 v3, v4  }
0x3d8: {  	v4 =	vperm.xlane v3, v0;
	_ =	sdelay $0x1  }
0x3d9: {  	v4 =	vadd.s32 v1, v4;
	_ =	sdelay $0x3  }
0x3da: {  	s15 =	simm.s32 $0x6200;
	v3 =	vperm.xlane v3, v2  }
0x3db: {  	[tilespmem:s15], [sflag:$0x1] =	stream.indirect_vreg.gather [hbm4b:s2+s5], $0x80, v4, vm0, $0xb8;
	[tilespmem:$0x18200] =	vst v63  }
0x3dc: {  	v3 =	vadd.s32 v1, v3;
	s15 =	simm.s32 $0x6A00  }
0x3dd: {  	[tilespmem:s15], [sflag:$0x1] =	stream.indirect_vreg.gather [hbm4b:s10+s5], $0x80, v4, vm0, $0xb8;
	[tilespmem:$0x18200] =	vst v63  }
0x3de: {  	s15 =	simm.s32 $0x7200  }
0x3df: {  	[tilespmem:s15], [sflag:$0x1] =	stream.indirect_vreg.gather [hbm4b:s11+s5], $0x80, v4, vm0, $0xb8;
	[tilespmem:$0x18200] =	vst v63  }
0x3e0: {  	s15 =	simm.s32 $0x7A00  }
0x3e1: {  	[tilespmem:s15], [sflag:$0x1] =	stream.indirect_vreg.gather [hbm4b:s2+s5], $0x80, v3, vm0, $0xb8;
	[tilespmem:$0x18200] =	vst v63  }
0x3e2: {  	s15 =	simm.s32 $0x8200  }
0x3e3: {  	[tilespmem:s15], [sflag:$0x1] =	stream.indirect_vreg.gather [hbm4b:s10+s5], $0x80, v3, vm0, $0xb8;
	[tilespmem:$0x18200] =	vst v63  }
0x3e4: {  	s15 =	simm.s32 $0x8A00  }
0x3e5: {  	[tilespmem:s15], [sflag:$0x1] =	stream.indirect_vreg.gather [hbm4b:s11+s5], $0x80, v3, vm0, $0xb8;
	[tilespmem:$0x18200] =	vst v63  }
0x3e6: {  	v3 =	vld [tilespmem:$0x130];
	_ =	sdelay $0x4  }
0x3e7: {  	v59 =	vshrl.u32 v3, $0x3  }
0x3e8: {  	v4 =	vmul.u32 $0x30, v59  }
0x3e9: {  	v3 =	vand.u32 $0x7, v3  }
0x3ea: {  	v3 =	vor.u32 v3, v4  }
0x3eb: {  	v4 =	vperm.xlane v3, v0;
	_ =	sdelay $0x1  }
0x3ec: {  	v4 =	vadd.s32 v1, v4;
	_ =	sdelay $0x3  }
0x3ed: {  	s15 =	simm.s32 $0x9200;
	v3 =	vperm.xlane v3, v2  }
0x3ee: {  	[tilespmem:s15], [sflag:$0x1] =	stream.indirect_vreg.gather [hbm4b:s2+s5], $0x80, v4, vm0, $0xb8;
	[tilespmem:$0x18200] =	vst v63  }
0x3ef: {  	v3 =	vadd.s32 v1, v3;
	s15 =	simm.s32 $0x9A00  }
0x3f0: {  	[tilespmem:s15], [sflag:$0x1] =	stream.indirect_vreg.gather [hbm4b:s10+s5], $0x80, v4, vm0, $0xb8;
	[tilespmem:$0x18200] =	vst v63  }
0x3f1: {  	s15 =	simm.s32 $0xA200  }
0x3f2: {  	[tilespmem:s15], [sflag:$0x1] =	stream.indirect_vreg.gather [hbm4b:s11+s5], $0x80, v4, vm0, $0xb8;
	[tilespmem:$0x18200] =	vst v63  }
0x3f3: {  	s15 =	simm.s32 $0xAA00  }
0x3f4: {  	[tilespmem:s15], [sflag:$0x1] =	stream.indirect_vreg.gather [hbm4b:s2+s5], $0x80, v3, vm0, $0xb8;
	[tilespmem:$0x18200] =	vst v63  }
0x3f5: {  	s15 =	simm.s32 $0xB200  }
0x3f6: {  	[tilespmem:s15], [sflag:$0x1] =	stream.indirect_vreg.gather [hbm4b:s10+s5], $0x80, v3, vm0, $0xb8;
	[tilespmem:$0x18200] =	vst v63  }
0x3f7: {  	s15 =	simm.s32 $0xBA00  }
0x3f8: {  	[tilespmem:s15], [sflag:$0x1] =	stream.indirect_vreg.gather [hbm4b:s11+s5], $0x80, v3, vm0, $0xb8;
	[tilespmem:$0x18200] =	vst v63  }
0x3f9: {  	_ =	swait.ge [sflag:s20], $0xC000  }
0x3fa: {  	s4 =	sld [smem:$0x7F7]  }
0x3fb: {  	[sflag:s20] =	ssyncset.done $0x0  }
0x3fc: {  	s15 =	sld [smem:$0x7F8];
	[sflag:s20] =	ssyncadd.s32 $0xFFFF4000  }
0x3fd: {  	[hbm4b:s4+s5] =	stream.linear.scatter [tilespmem:s14], [sflag:$0x3], $0xC000, $0x38;
	[tilespmem:$0x18200] =	vst v63  }
0x3fe: {  	_ = 	snop  }
0x3ff: {  	[hbm4b:s15+s5] =	stream.linear.scatter [tilespmem:s14], [sflag:$0x3], $0xC000, $0x38;
	[tilespmem:$0x18200] =	vst v63  }
0x400: {  	_ =	swait.ge [sflag:s3], $0xC000  }
0x401: {  	[sflag:s3] =	ssyncset.done $0x0  }
0x402: {  	[sflag:s3] =	ssyncadd.s32 $0xFFFF4000  }
0x403: {  	_ =	swait.ge [sflag:s3], $0xC000  }
0x404: {  	[sflag:s3] =	ssyncset.done $0x0  }
0x405: {  	[sflag:s3] =	ssyncadd.s32 $0xFFFF4000  }
0x406: {  	v3 =	vld [tilespmem:$0x180];
	_ =	sdelay $0x4  }
0x407: {  	v60 =	vshrl.u32 v3, $0x3  }
0x408: {  	v4 =	vmul.u32 $0x30, v60  }
0x409: {  	v3 =	vand.u32 $0x7, v3  }
0x40a: {  	v3 =	vor.u32 v3, v4  }
0x40b: {  	v4 =	vperm.xlane v3, v0;
	_ =	sdelay $0x1  }
0x40c: {  	v4 =	vadd.s32 v1, v4;
	_ =	sdelay $0x3  }
0x40d: {  	v3 =	vperm.xlane v3, v2  }
0x40e: {  	[tilespmem:s21], [sflag:$0x2] =	stream.indirect_vreg.gather [hbm4b:s2+s5], $0x80, v4, vm0, $0xb8;
	[tilespmem:$0x18200] =	vst v63  }
0x40f: {  	s28 =	simm.s32 $0xCA00;
	v3 =	vadd.s32 v1, v3  }
0x410: {  	[tilespmem:s28], [sflag:$0x2] =	stream.indirect_vreg.gather [hbm4b:s10+s5], $0x80, v4, vm0, $0xb8;
	[tilespmem:$0x18200] =	vst v63  }
0x411: {  	s16 =	simm.s32 $0xD200  }
0x412: {  	[tilespmem:s16], [sflag:$0x2] =	stream.indirect_vreg.gather [hbm4b:s11+s5], $0x80, v4, vm0, $0xb8;
	[tilespmem:$0x18200] =	vst v63  }
0x413: {  	s18 =	simm.s32 $0xDA00  }
0x414: {  	[tilespmem:s18], [sflag:$0x2] =	stream.indirect_vreg.gather [hbm4b:s2+s5], $0x80, v3, vm0, $0xb8;
	[tilespmem:$0x18200] =	vst v63  }
0x415: {  	s19 =	simm.s32 $0xE200  }
0x416: {  	[tilespmem:s19], [sflag:$0x2] =	stream.indirect_vreg.gather [hbm4b:s10+s5], $0x80, v3, vm0, $0xb8;
	[tilespmem:$0x18200] =	vst v63  }
0x417: {  	s18 =	simm.s32 $0xEA00  }
0x418: {  	[tilespmem:s18], [sflag:$0x2] =	stream.indirect_vreg.gather [hbm4b:s11+s5], $0x80, v3, vm0, $0xb8;
	[tilespmem:$0x18200] =	vst v63  }
0x419: {  	v3 =	vld [tilespmem:$0x190];
	_ =	sdelay $0x4  }
0x41a: {  	v61 =	vshrl.u32 v3, $0x3  }
0x41b: {  	v4 =	vmul.u32 $0x30, v61  }
0x41c: {  	v3 =	vand.u32 $0x7, v3  }
0x41d: {  	v3 =	vor.u32 v3, v4  }
0x41e: {  	v4 =	vperm.xlane v3, v0;
	_ =	sdelay $0x1  }
0x41f: {  	v4 =	vadd.s32 v1, v4;
	_ =	sdelay $0x3  }
0x420: {  	s19 =	simm.s32 $0xF200;
	v3 =	vperm.xlane v3, v2  }
0x421: {  	[tilespmem:s19], [sflag:$0x2] =	stream.indirect_vreg.gather [hbm4b:s2+s5], $0x80, v4, vm0, $0xb8;
	[tilespmem:$0x18200] =	vst v63  }
0x422: {  	s22 =	simm.s32 $0xFA00;
	v3 =	vadd.s32 v1, v3  }
0x423: {  	[tilespmem:s22], [sflag:$0x2] =	stream.indirect_vreg.gather [hbm4b:s10+s5], $0x80, v4, vm0, $0xb8;
	[tilespmem:$0x18200] =	vst v63  }
0x424: {  	s23 =	simm.s32 $0x10200  }
0x425: {  	[tilespmem:s23], [sflag:$0x2] =	stream.indirect_vreg.gather [hbm4b:s11+s5], $0x80, v4, vm0, $0xb8;
	[tilespmem:$0x18200] =	vst v63  }
0x426: {  	s24 =	simm.s32 $0x10A00  }
0x427: {  	[tilespmem:s24], [sflag:$0x2] =	stream.indirect_vreg.gather [hbm4b:s2+s5], $0x80, v3, vm0, $0xb8;
	[tilespmem:$0x18200] =	vst v63  }
0x428: {  	s26 =	simm.s32 $0x11200  }
0x429: {  	[tilespmem:s26], [sflag:$0x2] =	stream.indirect_vreg.gather [hbm4b:s10+s5], $0x80, v3, vm0, $0xb8;
	[tilespmem:$0x18200] =	vst v63  }
0x42a: {  	s28 =	simm.s32 $0x11A00  }
0x42b: {  	[tilespmem:s28], [sflag:$0x2] =	stream.indirect_vreg.gather [hbm4b:s11+s5], $0x80, v3, vm0, $0xb8;
	[tilespmem:$0x18200] =	vst v63  }
0x42c: {  	v3 =	vld [tilespmem:$0x1A0];
	_ =	sdelay $0x4  }
0x42d: {  	v62 =	vshrl.u32 v3, $0x3  }
0x42e: {  	v4 =	vmul.u32 $0x30, v62  }
0x42f: {  	v3 =	vand.u32 $0x7, v3  }
0x430: {  	v3 =	vor.u32 v3, v4  }
0x431: {  	v4 =	vperm.xlane v3, v0;
	_ =	sdelay $0x1  }
0x432: {  	v4 =	vadd.s32 v1, v4;
	_ =	sdelay $0x3  }
0x433: {  	s15 =	simm.s32 $0x12200;
	v3 =	vperm.xlane v3, v2  }
0x434: {  	[tilespmem:s15], [sflag:$0x2] =	stream.indirect_vreg.gather [hbm4b:s2+s5], $0x80, v4, vm0, $0xb8;
	[tilespmem:$0x18200] =	vst v63  }
0x435: {  	s29 =	simm.s32 $0x12A00;
	v3 =	vadd.s32 v1, v3  }
0x436: {  	[tilespmem:s29], [sflag:$0x2] =	stream.indirect_vreg.gather [hbm4b:s10+s5], $0x80, v4, vm0, $0xb8;
	[tilespmem:$0x18200] =	vst v63  }
0x437: {  	s16 =	simm.s32 $0x13200  }
0x438: {  	[tilespmem:s16], [sflag:$0x2] =	stream.indirect_vreg.gather [hbm4b:s11+s5], $0x80, v4, vm0, $0xb8;
	[tilespmem:$0x18200] =	vst v63  }
0x439: {  	s18 =	simm.s32 $0x13A00  }
0x43a: {  	[tilespmem:s18], [sflag:$0x2] =	stream.indirect_vreg.gather [hbm4b:s2+s5], $0x80, v3, vm0, $0xb8;
	[tilespmem:$0x18200] =	vst v63  }
0x43b: {  	s25 =	simm.s32 $0x14200  }
0x43c: {  	[tilespmem:s25], [sflag:$0x2] =	stream.indirect_vreg.gather [hbm4b:s10+s5], $0x80, v3, vm0, $0xb8;
	[tilespmem:$0x18200] =	vst v63  }
0x43d: {  	s19 =	simm.s32 $0x14A00  }
0x43e: {  	[tilespmem:s19], [sflag:$0x2] =	stream.indirect_vreg.gather [hbm4b:s11+s5], $0x80, v3, vm0, $0xb8;
	[tilespmem:$0x18200] =	vst v63  }
0x43f: {  	v3 =	vld [tilespmem:$0x1B0];
	_ =	sdelay $0x4  }
0x440: {  	v63 =	vshrl.u32 v3, $0x3  }
0x441: {  	v4 =	vmul.u32 $0x30, v63  }
0x442: {  	v3 =	vand.u32 $0x7, v3  }
0x443: {  	v3 =	vor.u32 v3, v4  }
0x444: {  	v4 =	vperm.xlane v3, v0;
	_ =	sdelay $0x1  }
0x445: {  	v4 =	vadd.s32 v1, v4;
	_ =	sdelay $0x3  }
0x446: {  	s22 =	simm.s32 $0x15200;
	v3 =	vperm.xlane v3, v2  }
0x447: {  	[tilespmem:s22], [sflag:$0x2] =	stream.indirect_vreg.gather [hbm4b:s2+s5], $0x80, v4, vm0, $0xb8;
	[tilespmem:$0x18200] =	vst v63  }
0x448: {  	s17 =	simm.s32 $0x15A00;
	v3 =	vadd.s32 v1, v3  }
0x449: {  	[tilespmem:s17], [sflag:$0x2] =	stream.indirect_vreg.gather [hbm4b:s10+s5], $0x80, v4, vm0, $0xb8;
	[tilespmem:$0x18200] =	vst v63  }
0x44a: {  	s23 =	simm.s32 $0x16200  }
0x44b: {  	[tilespmem:s23], [sflag:$0x2] =	stream.indirect_vreg.gather [hbm4b:s11+s5], $0x80, v4, vm0, $0xb8;
	[tilespmem:$0x18200] =	vst v63  }
0x44c: {  	s24 =	simm.s32 $0x16A00  }
0x44d: {  	[tilespmem:s24], [sflag:$0x2] =	stream.indirect_vreg.gather [hbm4b:s2+s5], $0x80, v3, vm0, $0xb8;
	[tilespmem:$0x18200] =	vst v63  }
0x44e: {  	s25 =	simm.s32 $0x17200  }
0x44f: {  	[tilespmem:s25], [sflag:$0x2] =	stream.indirect_vreg.gather [hbm4b:s10+s5], $0x80, v3, vm0, $0xb8;
	[tilespmem:$0x18200] =	vst v63  }
0x450: {  	s26 =	simm.s32 $0x17A00  }
0x451: {  	[tilespmem:s26], [sflag:$0x2] =	stream.indirect_vreg.gather [hbm4b:s11+s5], $0x80, v3, vm0, $0xb8;
	[tilespmem:$0x18200] =	vst v63  }
0x452: {  	_ =	swait.ge [sflag:s30], $0xC000  }
0x453: {  	s28 =	sld [smem:$0x7F9]  }
0x454: {  	[sflag:s30] =	ssyncset.done $0x0  }
0x455: {  	s29 =	sld [smem:$0x7FA];
	[sflag:s30] =	ssyncadd.s32 $0xFFFF4000  }
0x456: {  	[hbm4b:s28+s5] =	stream.linear.scatter [tilespmem:s21], [sflag:$0x4], $0xC000, $0x38;
	[tilespmem:$0x18200] =	vst v63  }
0x457: {  	_ = 	snop  }
0x458: {  	[hbm4b:s29+s5] =	stream.linear.scatter [tilespmem:s21], [sflag:$0x4], $0xC000, $0x38;
	[tilespmem:$0x18200] =	vst v63  }
0x459: {  	_ =	swait.ge [sflag:s31], $0xC000  }
0x45a: {  	[sflag:s31] =	ssyncset.done $0x0  }
0x45b: {  	[sflag:s31] =	ssyncadd.s32 $0xFFFF4000  }
0x45c: {  	_ =	swait.ge [sflag:s31], $0xC000  }
0x45d: {  	[sflag:s31] =	ssyncset.done $0x0  }
0x45e: {  	[sflag:s31] =	ssyncadd.s32 $0xFFFF4000  }
0x45f: {  	p0 =	sne.s32 s12, $0x1;
	_ =	swait.ge [sflag:s3], $0xC000  }
.Ltmp0:
0x460: {  	[sflag:s3] =	ssyncset.done $0x0;
	(pc) =	sbr.rel @p0 .LBB2_1-.Ltmp0, $4  }
0x461: {  	[sflag:s3] =	ssyncadd.s32 $0xFFFF4000  }
0x462: {  	_ =	swait.ge [sflag:s3], $0xC000  }
0x463: {  	[sflag:s3] =	ssyncset.done $0x0  }
0x464: {  	s12 =	sadd.s32 $0xFFFFFFFF, s12;
	[sflag:s3] =	ssyncadd.s32 $0xFFFF4000  }
0x465: {  	_ =	sfence.sel $0x180000  }
0x466: {  	[bflag:$0x0] =	sbarrier.arrive $0xFFFF  }
0x467: {  	_ =	strace $0x90000047  }
0x468: {  	s0 =	stileid.u32;
	[bflag:$0x2] =	sbarrier.arrive $0xFFFF  }
0x469: {  	p0 =	sne.s32 s0, $0x0;
	s0 =	rddreg [dreg:$0xa]  }
0x46a: {  	s0 =	sadd.s32 @!p0 $0x100000, s0  }
0x46b: {  	[sflag:s0] =	ssyncadd.tile.s32 @!p0 $0x1;
	_ =	shalt  }
.Lfunc_end2:
_tile_overlayer_lowered:
.L_overlay_start_2:
0x46c: {  	(tag) =	ssettag $0x2  }
0x46d: {  	s0 =	rddreg [dreg:$0x0];
	s2 =	stileid.u32  }
0x46e: {  	s1 =	rddreg [dreg:$0x1];
	p0 =	sne.s32 s2, $0x0  }
0x46f: {  	s3 =	rddreg [dreg:$0x2];
	[bflag:$0x3] =	sbarrier.arrive $0xFFFF;
	s2 =	simm.s32 @!p0 $0x1C05  }
0x470: {  	[timem:s3], [sflag:s2] =	dma.local @!p0 [hbm:s0], s1  }
0x471: {  	s0 =	simm.s32 @!p0 $0x5  }
0x472: {  	_ =	swait.ge @!p0 [sflag:s0], s1  }
0x473: {  	s1 =	ssub.s32 @!p0 $0x0, s1;
	[sflag:s0] =	ssyncset.done @!p0 $0x0  }
0x474: {  	[sflag:s0] =	ssyncadd.s32 @!p0 s1  }
0x475: {  	[bflag:$0x3] =	sbarrier.arrive $0xFFFF  }
0x476: {  	_ =	shalt  }

</sc_bundles>
